<compile_context>
chip_gen: v7x
topology: tpu7x:2x2x1
jax: 0.10.2.dev20260603
libtpu: 0.0.44.dev20260713+nightly
codegen_flags: <defaults>
</compile_context>

<pallas_src>
import math

import jax
import jax.numpy as jnp
from jax import lax
from jax.experimental import pallas as pl
from jax.experimental.pallas import tpu as pltpu
from jax.experimental.pallas import tpu_sc as plsc

EMB_D = 128
SCALE = math.sqrt(float(EMB_D))

NC = 2
NS = 16
NW = NC * NS

CH = 128


PAIR = 2


def _make_gather(nch):
    npair = nch // PAIR
    mesh = plsc.VectorSubcoreMesh(
        core_axis_name="c", subcore_axis_name="s",
        num_cores=NC, num_subcores=NS,
    )

    def body(table_hbm, tok_hbm, out_hbm, idx_v, buf0, buf1, gs0, gs1,
             ws0, ws1):
        bufs = (buf0, buf1)
        gsems = (gs0, gs1)
        wsems = (ws0, ws1)
        wid = lax.axis_index("s") * NC + lax.axis_index("c")
        pltpu.sync_copy(tok_hbm.at[wid], idx_v)

        def fire(p, s):
            for j in range(PAIR):
                pltpu.async_copy(
                    table_hbm.at[idx_v.at[p * PAIR + j]],
                    bufs[s].at[pl.ds(j * CH, CH)], gsems[s])

        def drain_g(s):
            pltpu.make_async_copy(out_hbm.at[wid, 0], bufs[s], gsems[s]).wait()

        def drain_w(s):
            pltpu.make_async_copy(bufs[s], out_hbm.at[wid, 0], wsems[s]).wait()

        fire(0, 0)

        @pl.loop(0, npair, step=2)
        def _pass(g):
            for b in range(2):
                p = g + b

                @pl.when(p + 1 < npair)
                def _():
                    @pl.when(p >= 1)
                    def _():
                        drain_w(1 - b)
                    fire(p + 1, 1 - b)

                drain_g(b)
                buf = bufs[b]

                @pl.loop(0, PAIR * CH, unroll=4)
                def _scale_row(r):
                    for k in range(EMB_D // 16):
                        sl = pl.ds(k * 16, 16)
                        buf[r, sl] = buf[r, sl] * SCALE

                pltpu.async_copy(bufs[b], out_hbm.at[wid, p], wsems[b])

        drain_w(0)
        drain_w(1)

    return pl.kernel(
        body,
        out_type=jax.ShapeDtypeStruct(
            (NW, npair, PAIR * CH, EMB_D), jnp.float32),
        mesh=mesh,
        scratch_types=[
            pltpu.VMEM((nch, CH), jnp.int32),
            *[pltpu.VMEM((PAIR * CH, EMB_D), jnp.float32) for _ in range(2)],
            *[pltpu.SemaphoreType.DMA for _ in range(4)],
        ],
    )


def kernel(tokens, embedding_weight):
    batch, seq = tokens.shape
    total = batch * seq
    assert total % (NW * CH) == 0
    nch = total // (NW * CH)

    tok = tokens.reshape(NW, nch, CH).astype(jnp.int32)
    out = _make_gather(nch)(embedding_weight, tok)
    return out.reshape(batch, seq, EMB_D)

# --- scband reference (transcript-rebuilt; emitter-appended) ---
"""Pipeline reference for scband-token-embedding-41489384079786 (READ-ONLY COPY).

The authoritative reference and input builder live on the scoring server;
editing this copy changes nothing except your own understanding.
"""

import math
import jax, jax.numpy as jnp
import numpy as np

VOCAB = 100000
EMB = 128
BATCH = 4096
SEQ = 200

def setup_inputs(seed: int = 0) -> dict:
    key = jax.random.key(seed)
    k_tok, k_emb = jax.random.split(key)
    tokens = jax.random.randint(k_tok, (BATCH, SEQ), 0, VOCAB, dtype=jnp.int64 if jax.config.jax_enable_x64 else jnp.int32)
    embedding_weight = jax.random.normal(k_emb, (VOCAB, EMB), dtype=jnp.float32)
    return {"tokens": tokens, "embedding_weight": embedding_weight}

def reference(tokens, embedding_weight):
    # TokenEmbedding.forward: embedding(tokens.long()) * sqrt(emb_size)
    # dropout is identity at p=0.0 / eval
    emb = jnp.take(embedding_weight, tokens, axis=0)
    return emb * math.sqrt(EMB)

if __name__ == "__main__":
    import jax
    _d = setup_inputs()
    print(jax.jit(kernel)(*tuple(_d.values())))

</pallas_src>

<mosaic_0001>
#map = affine_map<(d0, d1) -> (0, 0)>
#map1 = affine_map<(d0, d1) -> (0, 0, 0)>
#map2 = affine_map<(d0, d1) -> (0, 0, 0, 0)>
module attributes {stable_mosaic.version = 14 : i64} {
  func.func @body(%arg0: i32, %arg1: i32, %arg2: memref<100000x128xf32, #tpu.memory_space<hbm>>, %arg3: memref<32x200x128xi32, #tpu.memory_space<hbm>>, %arg4: memref<32x100x256x128xf32, #tpu.memory_space<hbm>>, %arg5: memref<200x128xi32, #tpu.memory_space<vmem>>, %arg6: memref<256x128xf32, #tpu.memory_space<vmem>>, %arg7: memref<256x128xf32, #tpu.memory_space<vmem>>, %arg8: memref<!tpu.dma_semaphore, #tpu.memory_space<semaphore_mem>>, %arg9: memref<!tpu.dma_semaphore, #tpu.memory_space<semaphore_mem>>, %arg10: memref<!tpu.dma_semaphore, #tpu.memory_space<semaphore_mem>>, %arg11: memref<!tpu.dma_semaphore, #tpu.memory_space<semaphore_mem>>) attributes {dimension_semantics = [#tpu.dimension_semantics<core_parallel>, #tpu.dimension_semantics<subcore_parallel>], iteration_bounds = array<i64: 2, 16>, scalar_prefetch = 0 : i64, scratch_operands = 7 : i64, tpu.core_type = #tpu.core_type<sc_vector_subcore>, window_params = [{transform_indices = #map}, {transform_indices = #map1}, {transform_indices = #map2}]} {
    %mul3A = arith.constant 2 : i32
    %mul3A_0 = arith.muli %arg1, %mul3A : i32
    %add3A = arith.addi %mul3A_0, %arg0 : i32
    "tpu.region"() ({
      %run_scoped3A = tpu.sem_alloc : memref<!tpu.dma_semaphore, #tpu.memory_space<semaphore_mem>>
      %dma_start3A_41 = arith.constant 0 : i32
      %dma_start3A_42 = arith.constant 0 : i32
      %dma_start3A_43 = tpu.memref_slice %arg3[%add3A, %dma_start3A_41, %dma_start3A_42] : memref<32x200x128xi32, #tpu.memory_space<hbm>> -> memref<1x200x128xi32, #tpu.memory_space<hbm>>
      %dma_start3A_44 = tpu.memref_squeeze %dma_start3A_43 : memref<1x200x128xi32, #tpu.memory_space<hbm>> -> memref<200x128xi32, #tpu.memory_space<hbm>>
      %dma_start3A_45 = arith.constant 0 : i32
      %dma_start3A_46 = arith.constant 0 : i32
      %dma_start3A_47 = tpu.memref_slice %arg3[%add3A, %dma_start3A_45, %dma_start3A_46] : memref<32x200x128xi32, #tpu.memory_space<hbm>> -> memref<1x200x128xi32, #tpu.memory_space<hbm>>
      %dma_start3A_48 = tpu.memref_squeeze %dma_start3A_47 : memref<1x200x128xi32, #tpu.memory_space<hbm>> -> memref<200x128xi32, #tpu.memory_space<hbm>>
      tpu.enqueue_dma source(%dma_start3A_48 : memref<200x128xi32, #tpu.memory_space<hbm>>) target(%arg5 : memref<200x128xi32, #tpu.memory_space<vmem>>) target_semaphore(%run_scoped3A : memref<!tpu.dma_semaphore, #tpu.memory_space<semaphore_mem>>)
      %dma_wait3A_49 = arith.constant 0 : i32
      %dma_wait3A_50 = arith.constant 0 : i32
      %dma_wait3A_51 = tpu.memref_slice %arg3[%add3A, %dma_wait3A_49, %dma_wait3A_50] : memref<32x200x128xi32, #tpu.memory_space<hbm>> -> memref<1x200x128xi32, #tpu.memory_space<hbm>>
      %dma_wait3A_52 = tpu.memref_squeeze %dma_wait3A_51 : memref<1x200x128xi32, #tpu.memory_space<hbm>> -> memref<200x128xi32, #tpu.memory_space<hbm>>
      %dma_wait3A_53 = arith.constant 0 : i32
      %dma_wait3A_54 = arith.constant 0 : i32
      %dma_wait3A_55 = tpu.memref_slice %arg3[%add3A, %dma_wait3A_53, %dma_wait3A_54] : memref<32x200x128xi32, #tpu.memory_space<hbm>> -> memref<1x200x128xi32, #tpu.memory_space<hbm>>
      %dma_wait3A_56 = tpu.memref_squeeze %dma_wait3A_55 : memref<1x200x128xi32, #tpu.memory_space<hbm>> -> memref<200x128xi32, #tpu.memory_space<hbm>>
      tpu.wait_dma2 semaphore(%run_scoped3A : memref<!tpu.dma_semaphore, #tpu.memory_space<semaphore_mem>>) src(%dma_wait3A_56 : memref<200x128xi32, #tpu.memory_space<hbm>>) dst(%arg5 : memref<200x128xi32, #tpu.memory_space<vmem>>)
      tpu.yield
    }) : () -> ()
    %dma_start3A = arith.constant 0 : i32
    %dma_start3A_1 = arith.constant 0 : i32
    %dma_start3A_2 = arith.constant 0 : i32
    %dma_start3A_3 = tpu.memref_slice %arg6[%dma_start3A_1, %dma_start3A_2] : memref<256x128xf32, #tpu.memory_space<vmem>> -> memref<128x128xf32, #tpu.memory_space<vmem>>
    %dma_start3A_4 = arith.constant 0 : i32
    %dma_start3A_5 = tpu.memref_slice %arg5[%dma_start3A, %dma_start3A_4] : memref<200x128xi32, #tpu.memory_space<vmem>> -> memref<1x128xi32, #tpu.memory_space<vmem>>
    %dma_start3A_6 = tpu.memref_squeeze %dma_start3A_5 : memref<1x128xi32, #tpu.memory_space<vmem>> -> memref<128xi32, #tpu.memory_space<vmem>>
    %dma_start3A_7 = arith.constant 0 : i32
    %dma_start3A_8 = arith.constant 0 : i32
    %dma_start3A_9 = tpu.memref_slice %arg2[%dma_start3A_7, %dma_start3A_8] : memref<100000x128xf32, #tpu.memory_space<hbm>> -> memref<100000x128xf32, #tpu.memory_space<hbm>>
    tpu.enqueue_indirect_dma source(%dma_start3A_9 : memref<100000x128xf32, #tpu.memory_space<hbm>>) target(%dma_start3A_3 : memref<128x128xf32, #tpu.memory_space<vmem>>) offsets(%dma_start3A_6 : memref<128xi32, #tpu.memory_space<vmem>>) semaphore(%arg8 : memref<!tpu.dma_semaphore, #tpu.memory_space<semaphore_mem>>)
    %dma_start3A_10 = arith.constant 1 : i32
    %dma_start3A_11 = arith.constant 128 : i32
    %dma_start3A_12 = arith.constant 0 : i32
    %dma_start3A_13 = tpu.memref_slice %arg6[%dma_start3A_11, %dma_start3A_12] : memref<256x128xf32, #tpu.memory_space<vmem>> -> memref<128x128xf32, #tpu.memory_space<vmem>>
    %dma_start3A_14 = arith.constant 0 : i32
    %dma_start3A_15 = tpu.memref_slice %arg5[%dma_start3A_10, %dma_start3A_14] : memref<200x128xi32, #tpu.memory_space<vmem>> -> memref<1x128xi32, #tpu.memory_space<vmem>>
    %dma_start3A_16 = tpu.memref_squeeze %dma_start3A_15 : memref<1x128xi32, #tpu.memory_space<vmem>> -> memref<128xi32, #tpu.memory_space<vmem>>
    %dma_start3A_17 = arith.constant 0 : i32
    %dma_start3A_18 = arith.constant 0 : i32
    %dma_start3A_19 = tpu.memref_slice %arg2[%dma_start3A_17, %dma_start3A_18] : memref<100000x128xf32, #tpu.memory_space<hbm>> -> memref<100000x128xf32, #tpu.memory_space<hbm>>
    tpu.enqueue_indirect_dma source(%dma_start3A_19 : memref<100000x128xf32, #tpu.memory_space<hbm>>) target(%dma_start3A_13 : memref<128x128xf32, #tpu.memory_space<vmem>>) offsets(%dma_start3A_16 : memref<128xi32, #tpu.memory_space<vmem>>) semaphore(%arg8 : memref<!tpu.dma_semaphore, #tpu.memory_space<semaphore_mem>>)
    %scan3A = arith.constant 0 : i32
    %scan3A_20 = arith.constant 50 : i32
    %scan3A_21 = arith.addi %scan3A, %scan3A_20 : i32
    %scan3A_22 = arith.constant 1 : i32
    scf.for %scan3A_41 = %scan3A to %scan3A_21 step %scan3A_22  : i32 {
      %mul3A_42 = arith.constant 2 : i32
      %mul3A_43 = arith.muli %scan3A_41, %mul3A_42 : i32
      %add3A_44 = arith.constant 0 : i32
      %add3A_45 = arith.addi %add3A_44, %mul3A_43 : i32
      %add3A_46 = arith.constant 0 : i32
      %add3A_47 = arith.addi %add3A_45, %add3A_46 : i32
      %add3A_48 = arith.constant 1 : i32
      %add3A_49 = arith.addi %add3A_47, %add3A_48 : i32
      %lt3A = arith.constant 100 : i32
      %lt3A_50 = arith.cmpi slt, %add3A_49, %lt3A : i32
      %convert_element_type3A = arith.extui %lt3A_50 : i1 to i32
      %cond3A = arith.constant 0 : i32
      %cond3A_51 = arith.cmpi ne, %convert_element_type3A, %cond3A : i32
      scf.if %cond3A_51 {
        %ge3A = arith.constant 1 : i32
        %ge3A_105 = arith.cmpi sge, %add3A_47, %ge3A : i32
        %convert_element_type3A_106 = arith.extui %ge3A_105 : i1 to i32
        %cond3A_107 = arith.constant 0 : i32
        %cond3A_108 = arith.cmpi ne, %convert_element_type3A_106, %cond3A_107 : i32
        scf.if %cond3A_108 {
          %dma_wait3A_137 = arith.constant 0 : i32
          %dma_wait3A_138 = arith.constant 0 : i32
          %dma_wait3A_139 = arith.constant 0 : i32
          %dma_wait3A_140 = tpu.memref_slice %arg4[%add3A, %dma_wait3A_137, %dma_wait3A_138, %dma_wait3A_139] : memref<32x100x256x128xf32, #tpu.memory_space<hbm>> -> memref<1x1x256x128xf32, #tpu.memory_space<hbm>>
          %dma_wait3A_141 = tpu.memref_squeeze %dma_wait3A_140 : memref<1x1x256x128xf32, #tpu.memory_space<hbm>> -> memref<256x128xf32, #tpu.memory_space<hbm>>
          %dma_wait3A_142 = arith.constant 0 : i32
          %dma_wait3A_143 = arith.constant 0 : i32
          %dma_wait3A_144 = tpu.memref_slice %arg4[%add3A, %dma_wait3A_137, %dma_wait3A_142, %dma_wait3A_143] : memref<32x100x256x128xf32, #tpu.memory_space<hbm>> -> memref<1x1x256x128xf32, #tpu.memory_space<hbm>>
          %dma_wait3A_145 = tpu.memref_squeeze %dma_wait3A_144 : memref<1x1x256x128xf32, #tpu.memory_space<hbm>> -> memref<256x128xf32, #tpu.memory_space<hbm>>
          tpu.wait_dma2 semaphore(%arg11 : memref<!tpu.dma_semaphore, #tpu.memory_space<semaphore_mem>>) src(%arg7 : memref<256x128xf32, #tpu.memory_space<vmem>>) dst(%dma_wait3A_145 : memref<256x128xf32, #tpu.memory_space<hbm>>)
        } else {
        }
        %add3A_109 = arith.constant 1 : i32
        %add3A_110 = arith.addi %add3A_47, %add3A_109 : i32
        %mul3A_111 = arith.constant 2 : i32
        %mul3A_112 = arith.muli %add3A_110, %mul3A_111 : i32
        %add3A_113 = arith.constant 0 : i32
        %add3A_114 = arith.addi %mul3A_112, %add3A_113 : i32
        %dma_start3A_115 = arith.constant 0 : i32
        %dma_start3A_116 = arith.constant 0 : i32
        %dma_start3A_117 = tpu.memref_slice %arg7[%dma_start3A_115, %dma_start3A_116] : memref<256x128xf32, #tpu.memory_space<vmem>> -> memref<128x128xf32, #tpu.memory_space<vmem>>
        %dma_start3A_118 = arith.constant 0 : i32
        %dma_start3A_119 = tpu.memref_slice %arg5[%add3A_114, %dma_start3A_118] : memref<200x128xi32, #tpu.memory_space<vmem>> -> memref<1x128xi32, #tpu.memory_space<vmem>>
        %dma_start3A_120 = tpu.memref_squeeze %dma_start3A_119 : memref<1x128xi32, #tpu.memory_space<vmem>> -> memref<128xi32, #tpu.memory_space<vmem>>
        %dma_start3A_121 = arith.constant 0 : i32
        %dma_start3A_122 = arith.constant 0 : i32
        %dma_start3A_123 = tpu.memref_slice %arg2[%dma_start3A_121, %dma_start3A_122] : memref<100000x128xf32, #tpu.memory_space<hbm>> -> memref<100000x128xf32, #tpu.memory_space<hbm>>
        tpu.enqueue_indirect_dma source(%dma_start3A_123 : memref<100000x128xf32, #tpu.memory_space<hbm>>) target(%dma_start3A_117 : memref<128x128xf32, #tpu.memory_space<vmem>>) offsets(%dma_start3A_120 : memref<128xi32, #tpu.memory_space<vmem>>) semaphore(%arg9 : memref<!tpu.dma_semaphore, #tpu.memory_space<semaphore_mem>>)
        %mul3A_124 = arith.constant 2 : i32
        %mul3A_125 = arith.muli %add3A_110, %mul3A_124 : i32
        %add3A_126 = arith.constant 1 : i32
        %add3A_127 = arith.addi %mul3A_125, %add3A_126 : i32
        %dma_start3A_128 = arith.constant 128 : i32
        %dma_start3A_129 = arith.constant 0 : i32
        %dma_start3A_130 = tpu.memref_slice %arg7[%dma_start3A_128, %dma_start3A_129] : memref<256x128xf32, #tpu.memory_space<vmem>> -> memref<128x128xf32, #tpu.memory_space<vmem>>
        %dma_start3A_131 = arith.constant 0 : i32
        %dma_start3A_132 = tpu.memref_slice %arg5[%add3A_127, %dma_start3A_131] : memref<200x128xi32, #tpu.memory_space<vmem>> -> memref<1x128xi32, #tpu.memory_space<vmem>>
        %dma_start3A_133 = tpu.memref_squeeze %dma_start3A_132 : memref<1x128xi32, #tpu.memory_space<vmem>> -> memref<128xi32, #tpu.memory_space<vmem>>
        %dma_start3A_134 = arith.constant 0 : i32
        %dma_start3A_135 = arith.constant 0 : i32
        %dma_start3A_136 = tpu.memref_slice %arg2[%dma_start3A_134, %dma_start3A_135] : memref<100000x128xf32, #tpu.memory_space<hbm>> -> memref<100000x128xf32, #tpu.memory_space<hbm>>
        tpu.enqueue_indirect_dma source(%dma_start3A_136 : memref<100000x128xf32, #tpu.memory_space<hbm>>) target(%dma_start3A_130 : memref<128x128xf32, #tpu.memory_space<vmem>>) offsets(%dma_start3A_133 : memref<128xi32, #tpu.memory_space<vmem>>) semaphore(%arg9 : memref<!tpu.dma_semaphore, #tpu.memory_space<semaphore_mem>>)
      } else {
      }
      %dma_wait3A_52 = arith.constant 0 : i32
      %dma_wait3A_53 = arith.constant 0 : i32
      %dma_wait3A_54 = arith.constant 0 : i32
      %dma_wait3A_55 = tpu.memref_slice %arg4[%add3A, %dma_wait3A_52, %dma_wait3A_53, %dma_wait3A_54] : memref<32x100x256x128xf32, #tpu.memory_space<hbm>> -> memref<1x1x256x128xf32, #tpu.memory_space<hbm>>
      %dma_wait3A_56 = tpu.memref_squeeze %dma_wait3A_55 : memref<1x1x256x128xf32, #tpu.memory_space<hbm>> -> memref<256x128xf32, #tpu.memory_space<hbm>>
      %dma_wait3A_57 = arith.constant 0 : i32
      %dma_wait3A_58 = arith.constant 0 : i32
      %dma_wait3A_59 = tpu.memref_slice %arg4[%add3A, %dma_wait3A_52, %dma_wait3A_57, %dma_wait3A_58] : memref<32x100x256x128xf32, #tpu.memory_space<hbm>> -> memref<1x1x256x128xf32, #tpu.memory_space<hbm>>
      %dma_wait3A_60 = tpu.memref_squeeze %dma_wait3A_59 : memref<1x1x256x128xf32, #tpu.memory_space<hbm>> -> memref<256x128xf32, #tpu.memory_space<hbm>>
      tpu.wait_dma2 semaphore(%arg8 : memref<!tpu.dma_semaphore, #tpu.memory_space<semaphore_mem>>) src(%dma_wait3A_60 : memref<256x128xf32, #tpu.memory_space<hbm>>) dst(%arg6 : memref<256x128xf32, #tpu.memory_space<vmem>>)
      %scan3A_61 = arith.constant 0 : i32
      %scan3A_62 = arith.constant 256 : i32
      %scan3A_63 = arith.addi %scan3A_61, %scan3A_62 : i32
      %scan3A_64 = arith.constant 4 : i32
      scf.for %scan3A_105 = %scan3A_61 to %scan3A_63 step %scan3A_64  : i32 {
        %mul3A_106 = arith.constant 1 : i32
        %mul3A_107 = arith.muli %scan3A_105, %mul3A_106 : i32
        %add3A_108 = arith.constant 0 : i32
        %add3A_109 = arith.addi %add3A_108, %mul3A_107 : i32
        %get3A = arith.index_cast %add3A_109 : i32 to index
        %get3A_110 = arith.constant 0 : index
        %get3A_111 = tpu.vector_load %arg6[%get3A, %get3A_110] {strides = array<i32>} : memref<256x128xf32, #tpu.memory_space<vmem>>, vector<1x16xf32>,
        %get3A_112 = vector.shape_cast %get3A_111 : vector<1x16xf32> to vector<16xf32>
        %mul3A_113 = arith.constant 11.3137083 : f32
        %mul3A_114 = vector.broadcast %mul3A_113 : f32 to vector<16xf32>
        %mul3A_115 = arith.mulf %get3A_112, %mul3A_114 : vector<16xf32>
        %swap3A = arith.index_cast %add3A_109 : i32 to index
        %swap3A_116 = arith.constant 0 : index
        %swap3A_117 = tpu.vector_load %arg6[%swap3A, %swap3A_116] {strides = array<i32>} : memref<256x128xf32, #tpu.memory_space<vmem>>, vector<1x16xf32>,
        %swap3A_118 = vector.shape_cast %swap3A_117 : vector<1x16xf32> to vector<16xf32>
        %swap3A_119 = vector.shape_cast %mul3A_115 : vector<16xf32> to vector<1x16xf32>
        tpu.vector_store %arg6[%swap3A, %swap3A_116], %swap3A_119 {strides = array<i32>} : memref<256x128xf32, #tpu.memory_space<vmem>>, vector<1x16xf32>,
        %get3A_120 = arith.index_cast %add3A_109 : i32 to index
        %get3A_121 = arith.constant 16 : index
        %get3A_122 = tpu.vector_load %arg6[%get3A_120, %get3A_121] {strides = array<i32>} : memref<256x128xf32, #tpu.memory_space<vmem>>, vector<1x16xf32>,
        %get3A_123 = vector.shape_cast %get3A_122 : vector<1x16xf32> to vector<16xf32>
        %mul3A_124 = arith.constant 11.3137083 : f32
        %mul3A_125 = vector.broadcast %mul3A_124 : f32 to vector<16xf32>
        %mul3A_126 = arith.mulf %get3A_123, %mul3A_125 : vector<16xf32>
        %swap3A_127 = arith.index_cast %add3A_109 : i32 to index
        %swap3A_128 = arith.constant 16 : index
        %swap3A_129 = tpu.vector_load %arg6[%swap3A_127, %swap3A_128] {strides = array<i32>} : memref<256x128xf32, #tpu.memory_space<vmem>>, vector<1x16xf32>,
        %swap3A_130 = vector.shape_cast %swap3A_129 : vector<1x16xf32> to vector<16xf32>
        %swap3A_131 = vector.shape_cast %mul3A_126 : vector<16xf32> to vector<1x16xf32>
        tpu.vector_store %arg6[%swap3A_127, %swap3A_128], %swap3A_131 {strides = array<i32>} : memref<256x128xf32, #tpu.memory_space<vmem>>, vector<1x16xf32>,
        %get3A_132 = arith.index_cast %add3A_109 : i32 to index
        %get3A_133 = arith.constant 32 : index
        %get3A_134 = tpu.vector_load %arg6[%get3A_132, %get3A_133] {strides = array<i32>} : memref<256x128xf32, #tpu.memory_space<vmem>>, vector<1x16xf32>,
        %get3A_135 = vector.shape_cast %get3A_134 : vector<1x16xf32> to vector<16xf32>
        %mul3A_136 = arith.constant 11.3137083 : f32
        %mul3A_137 = vector.broadcast %mul3A_136 : f32 to vector<16xf32>
        %mul3A_138 = arith.mulf %get3A_135, %mul3A_137 : vector<16xf32>
        %swap3A_139 = arith.index_cast %add3A_109 : i32 to index
        %swap3A_140 = arith.constant 32 : index
        %swap3A_141 = tpu.vector_load %arg6[%swap3A_139, %swap3A_140] {strides = array<i32>} : memref<256x128xf32, #tpu.memory_space<vmem>>, vector<1x16xf32>,
        %swap3A_142 = vector.shape_cast %swap3A_141 : vector<1x16xf32> to vector<16xf32>
        %swap3A_143 = vector.shape_cast %mul3A_138 : vector<16xf32> to vector<1x16xf32>
        tpu.vector_store %arg6[%swap3A_139, %swap3A_140], %swap3A_143 {strides = array<i32>} : memref<256x128xf32, #tpu.memory_space<vmem>>, vector<1x16xf32>,
        %get3A_144 = arith.index_cast %add3A_109 : i32 to index
        %get3A_145 = arith.constant 48 : index
        %get3A_146 = tpu.vector_load %arg6[%get3A_144, %get3A_145] {strides = array<i32>} : memref<256x128xf32, #tpu.memory_space<vmem>>, vector<1x16xf32>,
        %get3A_147 = vector.shape_cast %get3A_146 : vector<1x16xf32> to vector<16xf32>
        %mul3A_148 = arith.constant 11.3137083 : f32
        %mul3A_149 = vector.broadcast %mul3A_148 : f32 to vector<16xf32>
        %mul3A_150 = arith.mulf %get3A_147, %mul3A_149 : vector<16xf32>
        %swap3A_151 = arith.index_cast %add3A_109 : i32 to index
        %swap3A_152 = arith.constant 48 : index
        %swap3A_153 = tpu.vector_load %arg6[%swap3A_151, %swap3A_152] {strides = array<i32>} : memref<256x128xf32, #tpu.memory_space<vmem>>, vector<1x16xf32>,
        %swap3A_154 = vector.shape_cast %swap3A_153 : vector<1x16xf32> to vector<16xf32>
        %swap3A_155 = vector.shape_cast %mul3A_150 : vector<16xf32> to vector<1x16xf32>
        tpu.vector_store %arg6[%swap3A_151, %swap3A_152], %swap3A_155 {strides = array<i32>} : memref<256x128xf32, #tpu.memory_space<vmem>>, vector<1x16xf32>,
        %get3A_156 = arith.index_cast %add3A_109 : i32 to index
        %get3A_157 = arith.constant 64 : index
        %get3A_158 = tpu.vector_load %arg6[%get3A_156, %get3A_157] {strides = array<i32>} : memref<256x128xf32, #tpu.memory_space<vmem>>, vector<1x16xf32>,
        %get3A_159 = vector.shape_cast %get3A_158 : vector<1x16xf32> to vector<16xf32>
        %mul3A_160 = arith.constant 11.3137083 : f32
        %mul3A_161 = vector.broadcast %mul3A_160 : f32 to vector<16xf32>
        %mul3A_162 = arith.mulf %get3A_159, %mul3A_161 : vector<16xf32>
        %swap3A_163 = arith.index_cast %add3A_109 : i32 to index
        %swap3A_164 = arith.constant 64 : index
        %swap3A_165 = tpu.vector_load %arg6[%swap3A_163, %swap3A_164] {strides = array<i32>} : memref<256x128xf32, #tpu.memory_space<vmem>>, vector<1x16xf32>,
        %swap3A_166 = vector.shape_cast %swap3A_165 : vector<1x16xf32> to vector<16xf32>
        %swap3A_167 = vector.shape_cast %mul3A_162 : vector<16xf32> to vector<1x16xf32>
        tpu.vector_store %arg6[%swap3A_163, %swap3A_164], %swap3A_167 {strides = array<i32>} : memref<256x128xf32, #tpu.memory_space<vmem>>, vector<1x16xf32>,
        %get3A_168 = arith.index_cast %add3A_109 : i32 to index
        %get3A_169 = arith.constant 80 : index
        %get3A_170 = tpu.vector_load %arg6[%get3A_168, %get3A_169] {strides = array<i32>} : memref<256x128xf32, #tpu.memory_space<vmem>>, vector<1x16xf32>,
        %get3A_171 = vector.shape_cast %get3A_170 : vector<1x16xf32> to vector<16xf32>
        %mul3A_172 = arith.constant 11.3137083 : f32
        %mul3A_173 = vector.broadcast %mul3A_172 : f32 to vector<16xf32>
        %mul3A_174 = arith.mulf %get3A_171, %mul3A_173 : vector<16xf32>
        %swap3A_175 = arith.index_cast %add3A_109 : i32 to index
        %swap3A_176 = arith.constant 80 : index
        %swap3A_177 = tpu.vector_load %arg6[%swap3A_175, %swap3A_176] {strides = array<i32>} : memref<256x128xf32, #tpu.memory_space<vmem>>, vector<1x16xf32>,
        %swap3A_178 = vector.shape_cast %swap3A_177 : vector<1x16xf32> to vector<16xf32>
        %swap3A_179 = vector.shape_cast %mul3A_174 : vector<16xf32> to vector<1x16xf32>
        tpu.vector_store %arg6[%swap3A_175, %swap3A_176], %swap3A_179 {strides = array<i32>} : memref<256x128xf32, #tpu.memory_space<vmem>>, vector<1x16xf32>,
        %get3A_180 = arith.index_cast %add3A_109 : i32 to index
        %get3A_181 = arith.constant 96 : index
        %get3A_182 = tpu.vector_load %arg6[%get3A_180, %get3A_181] {strides = array<i32>} : memref<256x128xf32, #tpu.memory_space<vmem>>, vector<1x16xf32>,
        %get3A_183 = vector.shape_cast %get3A_182 : vector<1x16xf32> to vector<16xf32>
        %mul3A_184 = arith.constant 11.3137083 : f32
        %mul3A_185 = vector.broadcast %mul3A_184 : f32 to vector<16xf32>
        %mul3A_186 = arith.mulf %get3A_183, %mul3A_185 : vector<16xf32>
        %swap3A_187 = arith.index_cast %add3A_109 : i32 to index
        %swap3A_188 = arith.constant 96 : index
        %swap3A_189 = tpu.vector_load %arg6[%swap3A_187, %swap3A_188] {strides = array<i32>} : memref<256x128xf32, #tpu.memory_space<vmem>>, vector<1x16xf32>,
        %swap3A_190 = vector.shape_cast %swap3A_189 : vector<1x16xf32> to vector<16xf32>
        %swap3A_191 = vector.shape_cast %mul3A_186 : vector<16xf32> to vector<1x16xf32>
        tpu.vector_store %arg6[%swap3A_187, %swap3A_188], %swap3A_191 {strides = array<i32>} : memref<256x128xf32, #tpu.memory_space<vmem>>, vector<1x16xf32>,
        %get3A_192 = arith.index_cast %add3A_109 : i32 to index
        %get3A_193 = arith.constant 112 : index
        %get3A_194 = tpu.vector_load %arg6[%get3A_192, %get3A_193] {strides = array<i32>} : memref<256x128xf32, #tpu.memory_space<vmem>>, vector<1x16xf32>,
        %get3A_195 = vector.shape_cast %get3A_194 : vector<1x16xf32> to vector<16xf32>
        %mul3A_196 = arith.constant 11.3137083 : f32
        %mul3A_197 = vector.broadcast %mul3A_196 : f32 to vector<16xf32>
        %mul3A_198 = arith.mulf %get3A_195, %mul3A_197 : vector<16xf32>
        %swap3A_199 = arith.index_cast %add3A_109 : i32 to index
        %swap3A_200 = arith.constant 112 : index
        %swap3A_201 = tpu.vector_load %arg6[%swap3A_199, %swap3A_200] {strides = array<i32>} : memref<256x128xf32, #tpu.memory_space<vmem>>, vector<1x16xf32>,
        %swap3A_202 = vector.shape_cast %swap3A_201 : vector<1x16xf32> to vector<16xf32>
        %swap3A_203 = vector.shape_cast %mul3A_198 : vector<16xf32> to vector<1x16xf32>
        tpu.vector_store %arg6[%swap3A_199, %swap3A_200], %swap3A_203 {strides = array<i32>} : memref<256x128xf32, #tpu.memory_space<vmem>>, vector<1x16xf32>,
        %scan3A_204 = arith.constant 1 : i32
        %scan3A_205 = arith.addi %scan3A_105, %scan3A_204 : i32
        %mul3A_206 = arith.constant 1 : i32
        %mul3A_207 = arith.muli %scan3A_205, %mul3A_206 : i32
        %add3A_208 = arith.constant 0 : i32
        %add3A_209 = arith.addi %add3A_208, %mul3A_207 : i32
        %get3A_210 = arith.index_cast %add3A_209 : i32 to index
        %get3A_211 = arith.constant 0 : index
        %get3A_212 = tpu.vector_load %arg6[%get3A_210, %get3A_211] {strides = array<i32>} : memref<256x128xf32, #tpu.memory_space<vmem>>, vector<1x16xf32>,
        %get3A_213 = vector.shape_cast %get3A_212 : vector<1x16xf32> to vector<16xf32>
        %mul3A_214 = arith.constant 11.3137083 : f32
        %mul3A_215 = vector.broadcast %mul3A_214 : f32 to vector<16xf32>
        %mul3A_216 = arith.mulf %get3A_213, %mul3A_215 : vector<16xf32>
        %swap3A_217 = arith.index_cast %add3A_209 : i32 to index
        %swap3A_218 = arith.constant 0 : index
        %swap3A_219 = tpu.vector_load %arg6[%swap3A_217, %swap3A_218] {strides = array<i32>} : memref<256x128xf32, #tpu.memory_space<vmem>>, vector<1x16xf32>,
        %swap3A_220 = vector.shape_cast %swap3A_219 : vector<1x16xf32> to vector<16xf32>
        %swap3A_221 = vector.shape_cast %mul3A_216 : vector<16xf32> to vector<1x16xf32>
        tpu.vector_store %arg6[%swap3A_217, %swap3A_218], %swap3A_221 {strides = array<i32>} : memref<256x128xf32, #tpu.memory_space<vmem>>, vector<1x16xf32>,
        %get3A_222 = arith.index_cast %add3A_209 : i32 to index
        %get3A_223 = arith.constant 16 : index
        %get3A_224 = tpu.vector_load %arg6[%get3A_222, %get3A_223] {strides = array<i32>} : memref<256x128xf32, #tpu.memory_space<vmem>>, vector<1x16xf32>,
        %get3A_225 = vector.shape_cast %get3A_224 : vector<1x16xf32> to vector<16xf32>
        %mul3A_226 = arith.constant 11.3137083 : f32
        %mul3A_227 = vector.broadcast %mul3A_226 : f32 to vector<16xf32>
        %mul3A_228 = arith.mulf %get3A_225, %mul3A_227 : vector<16xf32>
        %swap3A_229 = arith.index_cast %add3A_209 : i32 to index
        %swap3A_230 = arith.constant 16 : index
        %swap3A_231 = tpu.vector_load %arg6[%swap3A_229, %swap3A_230] {strides = array<i32>} : memref<256x128xf32, #tpu.memory_space<vmem>>, vector<1x16xf32>,
        %swap3A_232 = vector.shape_cast %swap3A_231 : vector<1x16xf32> to vector<16xf32>
        %swap3A_233 = vector.shape_cast %mul3A_228 : vector<16xf32> to vector<1x16xf32>
        tpu.vector_store %arg6[%swap3A_229, %swap3A_230], %swap3A_233 {strides = array<i32>} : memref<256x128xf32, #tpu.memory_space<vmem>>, vector<1x16xf32>,
        %get3A_234 = arith.index_cast %add3A_209 : i32 to index
        %get3A_235 = arith.constant 32 : index
        %get3A_236 = tpu.vector_load %arg6[%get3A_234, %get3A_235] {strides = array<i32>} : memref<256x128xf32, #tpu.memory_space<vmem>>, vector<1x16xf32>,
        %get3A_237 = vector.shape_cast %get3A_236 : vector<1x16xf32> to vector<16xf32>
        %mul3A_238 = arith.constant 11.3137083 : f32
        %mul3A_239 = vector.broadcast %mul3A_238 : f32 to vector<16xf32>
        %mul3A_240 = arith.mulf %get3A_237, %mul3A_239 : vector<16xf32>
        %swap3A_241 = arith.index_cast %add3A_209 : i32 to index
        %swap3A_242 = arith.constant 32 : index
        %swap3A_243 = tpu.vector_load %arg6[%swap3A_241, %swap3A_242] {strides = array<i32>} : memref<256x128xf32, #tpu.memory_space<vmem>>, vector<1x16xf32>,
        %swap3A_244 = vector.shape_cast %swap3A_243 : vector<1x16xf32> to vector<16xf32>
        %swap3A_245 = vector.shape_cast %mul3A_240 : vector<16xf32> to vector<1x16xf32>
        tpu.vector_store %arg6[%swap3A_241, %swap3A_242], %swap3A_245 {strides = array<i32>} : memref<256x128xf32, #tpu.memory_space<vmem>>, vector<1x16xf32>,
        %get3A_246 = arith.index_cast %add3A_209 : i32 to index
        %get3A_247 = arith.constant 48 : index
        %get3A_248 = tpu.vector_load %arg6[%get3A_246, %get3A_247] {strides = array<i32>} : memref<256x128xf32, #tpu.memory_space<vmem>>, vector<1x16xf32>,
        %get3A_249 = vector.shape_cast %get3A_248 : vector<1x16xf32> to vector<16xf32>
        %mul3A_250 = arith.constant 11.3137083 : f32
        %mul3A_251 = vector.broadcast %mul3A_250 : f32 to vector<16xf32>
        %mul3A_252 = arith.mulf %get3A_249, %mul3A_251 : vector<16xf32>
        %swap3A_253 = arith.index_cast %add3A_209 : i32 to index
        %swap3A_254 = arith.constant 48 : index
        %swap3A_255 = tpu.vector_load %arg6[%swap3A_253, %swap3A_254] {strides = array<i32>} : memref<256x128xf32, #tpu.memory_space<vmem>>, vector<1x16xf32>,
        %swap3A_256 = vector.shape_cast %swap3A_255 : vector<1x16xf32> to vector<16xf32>
        %swap3A_257 = vector.shape_cast %mul3A_252 : vector<16xf32> to vector<1x16xf32>
        tpu.vector_store %arg6[%swap3A_253, %swap3A_254], %swap3A_257 {strides = array<i32>} : memref<256x128xf32, #tpu.memory_space<vmem>>, vector<1x16xf32>,
        %get3A_258 = arith.index_cast %add3A_209 : i32 to index
        %get3A_259 = arith.constant 64 : index
        %get3A_260 = tpu.vector_load %arg6[%get3A_258, %get3A_259] {strides = array<i32>} : memref<256x128xf32, #tpu.memory_space<vmem>>, vector<1x16xf32>,
        %get3A_261 = vector.shape_cast %get3A_260 : vector<1x16xf32> to vector<16xf32>
        %mul3A_262 = arith.constant 11.3137083 : f32
        %mul3A_263 = vector.broadcast %mul3A_262 : f32 to vector<16xf32>
        %mul3A_264 = arith.mulf %get3A_261, %mul3A_263 : vector<16xf32>
        %swap3A_265 = arith.index_cast %add3A_209 : i32 to index
        %swap3A_266 = arith.constant 64 : index
        %swap3A_267 = tpu.vector_load %arg6[%swap3A_265, %swap3A_266] {strides = array<i32>} : memref<256x128xf32, #tpu.memory_space<vmem>>, vector<1x16xf32>,
        %swap3A_268 = vector.shape_cast %swap3A_267 : vector<1x16xf32> to vector<16xf32>
        %swap3A_269 = vector.shape_cast %mul3A_264 : vector<16xf32> to vector<1x16xf32>
        tpu.vector_store %arg6[%swap3A_265, %swap3A_266], %swap3A_269 {strides = array<i32>} : memref<256x128xf32, #tpu.memory_space<vmem>>, vector<1x16xf32>,
        %get3A_270 = arith.index_cast %add3A_209 : i32 to index
        %get3A_271 = arith.constant 80 : index
        %get3A_272 = tpu.vector_load %arg6[%get3A_270, %get3A_271] {strides = array<i32>} : memref<256x128xf32, #tpu.memory_space<vmem>>, vector<1x16xf32>,
        %get3A_273 = vector.shape_cast %get3A_272 : vector<1x16xf32> to vector<16xf32>
        %mul3A_274 = arith.constant 11.3137083 : f32
        %mul3A_275 = vector.broadcast %mul3A_274 : f32 to vector<16xf32>
        %mul3A_276 = arith.mulf %get3A_273, %mul3A_275 : vector<16xf32>
        %swap3A_277 = arith.index_cast %add3A_209 : i32 to index
        %swap3A_278 = arith.constant 80 : index
        %swap3A_279 = tpu.vector_load %arg6[%swap3A_277, %swap3A_278] {strides = array<i32>} : memref<256x128xf32, #tpu.memory_space<vmem>>, vector<1x16xf32>,
        %swap3A_280 = vector.shape_cast %swap3A_279 : vector<1x16xf32> to vector<16xf32>
        %swap3A_281 = vector.shape_cast %mul3A_276 : vector<16xf32> to vector<1x16xf32>
        tpu.vector_store %arg6[%swap3A_277, %swap3A_278], %swap3A_281 {strides = array<i32>} : memref<256x128xf32, #tpu.memory_space<vmem>>, vector<1x16xf32>,
        %get3A_282 = arith.index_cast %add3A_209 : i32 to index
        %get3A_283 = arith.constant 96 : index
        %get3A_284 = tpu.vector_load %arg6[%get3A_282, %get3A_283] {strides = array<i32>} : memref<256x128xf32, #tpu.memory_space<vmem>>, vector<1x16xf32>,
        %get3A_285 = vector.shape_cast %get3A_284 : vector<1x16xf32> to vector<16xf32>
        %mul3A_286 = arith.constant 11.3137083 : f32
        %mul3A_287 = vector.broadcast %mul3A_286 : f32 to vector<16xf32>
        %mul3A_288 = arith.mulf %get3A_285, %mul3A_287 : vector<16xf32>
        %swap3A_289 = arith.index_cast %add3A_209 : i32 to index
        %swap3A_290 = arith.constant 96 : index
        %swap3A_291 = tpu.vector_load %arg6[%swap3A_289, %swap3A_290] {strides = array<i32>} : memref<256x128xf32, #tpu.memory_space<vmem>>, vector<1x16xf32>,
        %swap3A_292 = vector.shape_cast %swap3A_291 : vector<1x16xf32> to vector<16xf32>
        %swap3A_293 = vector.shape_cast %mul3A_288 : vector<16xf32> to vector<1x16xf32>
        tpu.vector_store %arg6[%swap3A_289, %swap3A_290], %swap3A_293 {strides = array<i32>} : memref<256x128xf32, #tpu.memory_space<vmem>>, vector<1x16xf32>,
        %get3A_294 = arith.index_cast %add3A_209 : i32 to index
        %get3A_295 = arith.constant 112 : index
        %get3A_296 = tpu.vector_load %arg6[%get3A_294, %get3A_295] {strides = array<i32>} : memref<256x128xf32, #tpu.memory_space<vmem>>, vector<1x16xf32>,
        %get3A_297 = vector.shape_cast %get3A_296 : vector<1x16xf32> to vector<16xf32>
        %mul3A_298 = arith.constant 11.3137083 : f32
        %mul3A_299 = vector.broadcast %mul3A_298 : f32 to vector<16xf32>
        %mul3A_300 = arith.mulf %get3A_297, %mul3A_299 : vector<16xf32>
        %swap3A_301 = arith.index_cast %add3A_209 : i32 to index
        %swap3A_302 = arith.constant 112 : index
        %swap3A_303 = tpu.vector_load %arg6[%swap3A_301, %swap3A_302] {strides = array<i32>} : memref<256x128xf32, #tpu.memory_space<vmem>>, vector<1x16xf32>,
        %swap3A_304 = vector.shape_cast %swap3A_303 : vector<1x16xf32> to vector<16xf32>
        %swap3A_305 = vector.shape_cast %mul3A_300 : vector<16xf32> to vector<1x16xf32>
        tpu.vector_store %arg6[%swap3A_301, %swap3A_302], %swap3A_305 {strides = array<i32>} : memref<256x128xf32, #tpu.memory_space<vmem>>, vector<1x16xf32>,
        %scan3A_306 = arith.constant 2 : i32
        %scan3A_307 = arith.addi %scan3A_105, %scan3A_306 : i32
        %mul3A_308 = arith.constant 1 : i32
        %mul3A_309 = arith.muli %scan3A_307, %mul3A_308 : i32
        %add3A_310 = arith.constant 0 : i32
        %add3A_311 = arith.addi %add3A_310, %mul3A_309 : i32
        %get3A_312 = arith.index_cast %add3A_311 : i32 to index
        %get3A_313 = arith.constant 0 : index
        %get3A_314 = tpu.vector_load %arg6[%get3A_312, %get3A_313] {strides = array<i32>} : memref<256x128xf32, #tpu.memory_space<vmem>>, vector<1x16xf32>,
        %get3A_315 = vector.shape_cast %get3A_314 : vector<1x16xf32> to vector<16xf32>
        %mul3A_316 = arith.constant 11.3137083 : f32
        %mul3A_317 = vector.broadcast %mul3A_316 : f32 to vector<16xf32>
        %mul3A_318 = arith.mulf %get3A_315, %mul3A_317 : vector<16xf32>
        %swap3A_319 = arith.index_cast %add3A_311 : i32 to index
        %swap3A_320 = arith.constant 0 : index
        %swap3A_321 = tpu.vector_load %arg6[%swap3A_319, %swap3A_320] {strides = array<i32>} : memref<256x128xf32, #tpu.memory_space<vmem>>, vector<1x16xf32>,
        %swap3A_322 = vector.shape_cast %swap3A_321 : vector<1x16xf32> to vector<16xf32>
        %swap3A_323 = vector.shape_cast %mul3A_318 : vector<16xf32> to vector<1x16xf32>
        tpu.vector_store %arg6[%swap3A_319, %swap3A_320], %swap3A_323 {strides = array<i32>} : memref<256x128xf32, #tpu.memory_space<vmem>>, vector<1x16xf32>,
        %get3A_324 = arith.index_cast %add3A_311 : i32 to index
        %get3A_325 = arith.constant 16 : index
        %get3A_326 = tpu.vector_load %arg6[%get3A_324, %get3A_325] {strides = array<i32>} : memref<256x128xf32, #tpu.memory_space<vmem>>, vector<1x16xf32>,
        %get3A_327 = vector.shape_cast %get3A_326 : vector<1x16xf32> to vector<16xf32>
        %mul3A_328 = arith.constant 11.3137083 : f32
        %mul3A_329 = vector.broadcast %mul3A_328 : f32 to vector<16xf32>
        %mul3A_330 = arith.mulf %get3A_327, %mul3A_329 : vector<16xf32>
        %swap3A_331 = arith.index_cast %add3A_311 : i32 to index
        %swap3A_332 = arith.constant 16 : index
        %swap3A_333 = tpu.vector_load %arg6[%swap3A_331, %swap3A_332] {strides = array<i32>} : memref<256x128xf32, #tpu.memory_space<vmem>>, vector<1x16xf32>,
        %swap3A_334 = vector.shape_cast %swap3A_333 : vector<1x16xf32> to vector<16xf32>
        %swap3A_335 = vector.shape_cast %mul3A_330 : vector<16xf32> to vector<1x16xf32>
        tpu.vector_store %arg6[%swap3A_331, %swap3A_332], %swap3A_335 {strides = array<i32>} : memref<256x128xf32, #tpu.memory_space<vmem>>, vector<1x16xf32>,
        %get3A_336 = arith.index_cast %add3A_311 : i32 to index
        %get3A_337 = arith.constant 32 : index
        %get3A_338 = tpu.vector_load %arg6[%get3A_336, %get3A_337] {strides = array<i32>} : memref<256x128xf32, #tpu.memory_space<vmem>>, vector<1x16xf32>,
        %get3A_339 = vector.shape_cast %get3A_338 : vector<1x16xf32> to vector<16xf32>
        %mul3A_340 = arith.constant 11.3137083 : f32
        %mul3A_341 = vector.broadcast %mul3A_340 : f32 to vector<16xf32>
        %mul3A_342 = arith.mulf %get3A_339, %mul3A_341 : vector<16xf32>
        %swap3A_343 = arith.index_cast %add3A_311 : i32 to index
        %swap3A_344 = arith.constant 32 : index
        %swap3A_345 = tpu.vector_load %arg6[%swap3A_343, %swap3A_344] {strides = array<i32>} : memref<256x128xf32, #tpu.memory_space<vmem>>, vector<1x16xf32>,
        %swap3A_346 = vector.shape_cast %swap3A_345 : vector<1x16xf32> to vector<16xf32>
        %swap3A_347 = vector.shape_cast %mul3A_342 : vector<16xf32> to vector<1x16xf32>
        tpu.vector_store %arg6[%swap3A_343, %swap3A_344], %swap3A_347 {strides = array<i32>} : memref<256x128xf32, #tpu.memory_space<vmem>>, vector<1x16xf32>,
        %get3A_348 = arith.index_cast %add3A_311 : i32 to index
        %get3A_349 = arith.constant 48 : index
        %get3A_350 = tpu.vector_load %arg6[%get3A_348, %get3A_349] {strides = array<i32>} : memref<256x128xf32, #tpu.memory_space<vmem>>, vector<1x16xf32>,
        %get3A_351 = vector.shape_cast %get3A_350 : vector<1x16xf32> to vector<16xf32>
        %mul3A_352 = arith.constant 11.3137083 : f32
        %mul3A_353 = vector.broadcast %mul3A_352 : f32 to vector<16xf32>
        %mul3A_354 = arith.mulf %get3A_351, %mul3A_353 : vector<16xf32>
        %swap3A_355 = arith.index_cast %add3A_311 : i32 to index
        %swap3A_356 = arith.constant 48 : index
        %swap3A_357 = tpu.vector_load %arg6[%swap3A_355, %swap3A_356] {strides = array<i32>} : memref<256x128xf32, #tpu.memory_space<vmem>>, vector<1x16xf32>,
        %swap3A_358 = vector.shape_cast %swap3A_357 : vector<1x16xf32> to vector<16xf32>
        %swap3A_359 = vector.shape_cast %mul3A_354 : vector<16xf32> to vector<1x16xf32>
        tpu.vector_store %arg6[%swap3A_355, %swap3A_356], %swap3A_359 {strides = array<i32>} : memref<256x128xf32, #tpu.memory_space<vmem>>, vector<1x16xf32>,
        %get3A_360 = arith.index_cast %add3A_311 : i32 to index
        %get3A_361 = arith.constant 64 : index
        %get3A_362 = tpu.vector_load %arg6[%get3A_360, %get3A_361] {strides = array<i32>} : memref<256x128xf32, #tpu.memory_space<vmem>>, vector<1x16xf32>,
        %get3A_363 = vector.shape_cast %get3A_362 : vector<1x16xf32> to vector<16xf32>
        %mul3A_364 = arith.constant 11.3137083 : f32
        %mul3A_365 = vector.broadcast %mul3A_364 : f32 to vector<16xf32>
        %mul3A_366 = arith.mulf %get3A_363, %mul3A_365 : vector<16xf32>
        %swap3A_367 = arith.index_cast %add3A_311 : i32 to index
        %swap3A_368 = arith.constant 64 : index
        %swap3A_369 = tpu.vector_load %arg6[%swap3A_367, %swap3A_368] {strides = array<i32>} : memref<256x128xf32, #tpu.memory_space<vmem>>, vector<1x16xf32>,
        %swap3A_370 = vector.shape_cast %swap3A_369 : vector<1x16xf32> to vector<16xf32>
        %swap3A_371 = vector.shape_cast %mul3A_366 : vector<16xf32> to vector<1x16xf32>
        tpu.vector_store %arg6[%swap3A_367, %swap3A_368], %swap3A_371 {strides = array<i32>} : memref<256x128xf32, #tpu.memory_space<vmem>>, vector<1x16xf32>,
        %get3A_372 = arith.index_cast %add3A_311 : i32 to index
        %get3A_373 = arith.constant 80 : index
        %get3A_374 = tpu.vector_load %arg6[%get3A_372, %get3A_373] {strides = array<i32>} : memref<256x128xf32, #tpu.memory_space<vmem>>, vector<1x16xf32>,
        %get3A_375 = vector.shape_cast %get3A_374 : vector<1x16xf32> to vector<16xf32>
        %mul3A_376 = arith.constant 11.3137083 : f32
        %mul3A_377 = vector.broadcast %mul3A_376 : f32 to vector<16xf32>
        %mul3A_378 = arith.mulf %get3A_375, %mul3A_377 : vector<16xf32>
        %swap3A_379 = arith.index_cast %add3A_311 : i32 to index
        %swap3A_380 = arith.constant 80 : index
        %swap3A_381 = tpu.vector_load %arg6[%swap3A_379, %swap3A_380] {strides = array<i32>} : memref<256x128xf32, #tpu.memory_space<vmem>>, vector<1x16xf32>,
        %swap3A_382 = vector.shape_cast %swap3A_381 : vector<1x16xf32> to vector<16xf32>
        %swap3A_383 = vector.shape_cast %mul3A_378 : vector<16xf32> to vector<1x16xf32>
        tpu.vector_store %arg6[%swap3A_379, %swap3A_380], %swap3A_383 {strides = array<i32>} : memref<256x128xf32, #tpu.memory_space<vmem>>, vector<1x16xf32>,
        %get3A_384 = arith.index_cast %add3A_311 : i32 to index
        %get3A_385 = arith.constant 96 : index
        %get3A_386 = tpu.vector_load %arg6[%get3A_384, %get3A_385] {strides = array<i32>} : memref<256x128xf32, #tpu.memory_space<vmem>>, vector<1x16xf32>,
        %get3A_387 = vector.shape_cast %get3A_386 : vector<1x16xf32> to vector<16xf32>
        %mul3A_388 = arith.constant 11.3137083 : f32
        %mul3A_389 = vector.broadcast %mul3A_388 : f32 to vector<16xf32>
        %mul3A_390 = arith.mulf %get3A_387, %mul3A_389 : vector<16xf32>
        %swap3A_391 = arith.index_cast %add3A_311 : i32 to index
        %swap3A_392 = arith.constant 96 : index
        %swap3A_393 = tpu.vector_load %arg6[%swap3A_391, %swap3A_392] {strides = array<i32>} : memref<256x128xf32, #tpu.memory_space<vmem>>, vector<1x16xf32>,
        %swap3A_394 = vector.shape_cast %swap3A_393 : vector<1x16xf32> to vector<16xf32>
        %swap3A_395 = vector.shape_cast %mul3A_390 : vector<16xf32> to vector<1x16xf32>
        tpu.vector_store %arg6[%swap3A_391, %swap3A_392], %swap3A_395 {strides = array<i32>} : memref<256x128xf32, #tpu.memory_space<vmem>>, vector<1x16xf32>,
        %get3A_396 = arith.index_cast %add3A_311 : i32 to index
        %get3A_397 = arith.constant 112 : index
        %get3A_398 = tpu.vector_load %arg6[%get3A_396, %get3A_397] {strides = array<i32>} : memref<256x128xf32, #tpu.memory_space<vmem>>, vector<1x16xf32>,
        %get3A_399 = vector.shape_cast %get3A_398 : vector<1x16xf32> to vector<16xf32>
        %mul3A_400 = arith.constant 11.3137083 : f32
        %mul3A_401 = vector.broadcast %mul3A_400 : f32 to vector<16xf32>
        %mul3A_402 = arith.mulf %get3A_399, %mul3A_401 : vector<16xf32>
        %swap3A_403 = arith.index_cast %add3A_311 : i32 to index
        %swap3A_404 = arith.constant 112 : index
        %swap3A_405 = tpu.vector_load %arg6[%swap3A_403, %swap3A_404] {strides = array<i32>} : memref<256x128xf32, #tpu.memory_space<vmem>>, vector<1x16xf32>,
        %swap3A_406 = vector.shape_cast %swap3A_405 : vector<1x16xf32> to vector<16xf32>
        %swap3A_407 = vector.shape_cast %mul3A_402 : vector<16xf32> to vector<1x16xf32>
        tpu.vector_store %arg6[%swap3A_403, %swap3A_404], %swap3A_407 {strides = array<i32>} : memref<256x128xf32, #tpu.memory_space<vmem>>, vector<1x16xf32>,
        %scan3A_408 = arith.constant 3 : i32
        %scan3A_409 = arith.addi %scan3A_105, %scan3A_408 : i32
        %mul3A_410 = arith.constant 1 : i32
        %mul3A_411 = arith.muli %scan3A_409, %mul3A_410 : i32
        %add3A_412 = arith.constant 0 : i32
        %add3A_413 = arith.addi %add3A_412, %mul3A_411 : i32
        %get3A_414 = arith.index_cast %add3A_413 : i32 to index
        %get3A_415 = arith.constant 0 : index
        %get3A_416 = tpu.vector_load %arg6[%get3A_414, %get3A_415] {strides = array<i32>} : memref<256x128xf32, #tpu.memory_space<vmem>>, vector<1x16xf32>,
        %get3A_417 = vector.shape_cast %get3A_416 : vector<1x16xf32> to vector<16xf32>
        %mul3A_418 = arith.constant 11.3137083 : f32
        %mul3A_419 = vector.broadcast %mul3A_418 : f32 to vector<16xf32>
        %mul3A_420 = arith.mulf %get3A_417, %mul3A_419 : vector<16xf32>
        %swap3A_421 = arith.index_cast %add3A_413 : i32 to index
        %swap3A_422 = arith.constant 0 : index
        %swap3A_423 = tpu.vector_load %arg6[%swap3A_421, %swap3A_422] {strides = array<i32>} : memref<256x128xf32, #tpu.memory_space<vmem>>, vector<1x16xf32>,
        %swap3A_424 = vector.shape_cast %swap3A_423 : vector<1x16xf32> to vector<16xf32>
        %swap3A_425 = vector.shape_cast %mul3A_420 : vector<16xf32> to vector<1x16xf32>
        tpu.vector_store %arg6[%swap3A_421, %swap3A_422], %swap3A_425 {strides = array<i32>} : memref<256x128xf32, #tpu.memory_space<vmem>>, vector<1x16xf32>,
        %get3A_426 = arith.index_cast %add3A_413 : i32 to index
        %get3A_427 = arith.constant 16 : index
        %get3A_428 = tpu.vector_load %arg6[%get3A_426, %get3A_427] {strides = array<i32>} : memref<256x128xf32, #tpu.memory_space<vmem>>, vector<1x16xf32>,
        %get3A_429 = vector.shape_cast %get3A_428 : vector<1x16xf32> to vector<16xf32>
        %mul3A_430 = arith.constant 11.3137083 : f32
        %mul3A_431 = vector.broadcast %mul3A_430 : f32 to vector<16xf32>
        %mul3A_432 = arith.mulf %get3A_429, %mul3A_431 : vector<16xf32>
        %swap3A_433 = arith.index_cast %add3A_413 : i32 to index
        %swap3A_434 = arith.constant 16 : index
        %swap3A_435 = tpu.vector_load %arg6[%swap3A_433, %swap3A_434] {strides = array<i32>} : memref<256x128xf32, #tpu.memory_space<vmem>>, vector<1x16xf32>,
        %swap3A_436 = vector.shape_cast %swap3A_435 : vector<1x16xf32> to vector<16xf32>
        %swap3A_437 = vector.shape_cast %mul3A_432 : vector<16xf32> to vector<1x16xf32>
        tpu.vector_store %arg6[%swap3A_433, %swap3A_434], %swap3A_437 {strides = array<i32>} : memref<256x128xf32, #tpu.memory_space<vmem>>, vector<1x16xf32>,
        %get3A_438 = arith.index_cast %add3A_413 : i32 to index
        %get3A_439 = arith.constant 32 : index
        %get3A_440 = tpu.vector_load %arg6[%get3A_438, %get3A_439] {strides = array<i32>} : memref<256x128xf32, #tpu.memory_space<vmem>>, vector<1x16xf32>,
        %get3A_441 = vector.shape_cast %get3A_440 : vector<1x16xf32> to vector<16xf32>
        %mul3A_442 = arith.constant 11.3137083 : f32
        %mul3A_443 = vector.broadcast %mul3A_442 : f32 to vector<16xf32>
        %mul3A_444 = arith.mulf %get3A_441, %mul3A_443 : vector<16xf32>
        %swap3A_445 = arith.index_cast %add3A_413 : i32 to index
        %swap3A_446 = arith.constant 32 : index
        %swap3A_447 = tpu.vector_load %arg6[%swap3A_445, %swap3A_446] {strides = array<i32>} : memref<256x128xf32, #tpu.memory_space<vmem>>, vector<1x16xf32>,
        %swap3A_448 = vector.shape_cast %swap3A_447 : vector<1x16xf32> to vector<16xf32>
        %swap3A_449 = vector.shape_cast %mul3A_444 : vector<16xf32> to vector<1x16xf32>
        tpu.vector_store %arg6[%swap3A_445, %swap3A_446], %swap3A_449 {strides = array<i32>} : memref<256x128xf32, #tpu.memory_space<vmem>>, vector<1x16xf32>,
        %get3A_450 = arith.index_cast %add3A_413 : i32 to index
        %get3A_451 = arith.constant 48 : index
        %get3A_452 = tpu.vector_load %arg6[%get3A_450, %get3A_451] {strides = array<i32>} : memref<256x128xf32, #tpu.memory_space<vmem>>, vector<1x16xf32>,
        %get3A_453 = vector.shape_cast %get3A_452 : vector<1x16xf32> to vector<16xf32>
        %mul3A_454 = arith.constant 11.3137083 : f32
        %mul3A_455 = vector.broadcast %mul3A_454 : f32 to vector<16xf32>
        %mul3A_456 = arith.mulf %get3A_453, %mul3A_455 : vector<16xf32>
        %swap3A_457 = arith.index_cast %add3A_413 : i32 to index
        %swap3A_458 = arith.constant 48 : index
        %swap3A_459 = tpu.vector_load %arg6[%swap3A_457, %swap3A_458] {strides = array<i32>} : memref<256x128xf32, #tpu.memory_space<vmem>>, vector<1x16xf32>,
        %swap3A_460 = vector.shape_cast %swap3A_459 : vector<1x16xf32> to vector<16xf32>
        %swap3A_461 = vector.shape_cast %mul3A_456 : vector<16xf32> to vector<1x16xf32>
        tpu.vector_store %arg6[%swap3A_457, %swap3A_458], %swap3A_461 {strides = array<i32>} : memref<256x128xf32, #tpu.memory_space<vmem>>, vector<1x16xf32>,
        %get3A_462 = arith.index_cast %add3A_413 : i32 to index
        %get3A_463 = arith.constant 64 : index
        %get3A_464 = tpu.vector_load %arg6[%get3A_462, %get3A_463] {strides = array<i32>} : memref<256x128xf32, #tpu.memory_space<vmem>>, vector<1x16xf32>,
        %get3A_465 = vector.shape_cast %get3A_464 : vector<1x16xf32> to vector<16xf32>
        %mul3A_466 = arith.constant 11.3137083 : f32
        %mul3A_467 = vector.broadcast %mul3A_466 : f32 to vector<16xf32>
        %mul3A_468 = arith.mulf %get3A_465, %mul3A_467 : vector<16xf32>
        %swap3A_469 = arith.index_cast %add3A_413 : i32 to index
        %swap3A_470 = arith.constant 64 : index
        %swap3A_471 = tpu.vector_load %arg6[%swap3A_469, %swap3A_470] {strides = array<i32>} : memref<256x128xf32, #tpu.memory_space<vmem>>, vector<1x16xf32>,
        %swap3A_472 = vector.shape_cast %swap3A_471 : vector<1x16xf32> to vector<16xf32>
        %swap3A_473 = vector.shape_cast %mul3A_468 : vector<16xf32> to vector<1x16xf32>
        tpu.vector_store %arg6[%swap3A_469, %swap3A_470], %swap3A_473 {strides = array<i32>} : memref<256x128xf32, #tpu.memory_space<vmem>>, vector<1x16xf32>,
        %get3A_474 = arith.index_cast %add3A_413 : i32 to index
        %get3A_475 = arith.constant 80 : index
        %get3A_476 = tpu.vector_load %arg6[%get3A_474, %get3A_475] {strides = array<i32>} : memref<256x128xf32, #tpu.memory_space<vmem>>, vector<1x16xf32>,
        %get3A_477 = vector.shape_cast %get3A_476 : vector<1x16xf32> to vector<16xf32>
        %mul3A_478 = arith.constant 11.3137083 : f32
        %mul3A_479 = vector.broadcast %mul3A_478 : f32 to vector<16xf32>
        %mul3A_480 = arith.mulf %get3A_477, %mul3A_479 : vector<16xf32>
        %swap3A_481 = arith.index_cast %add3A_413 : i32 to index
        %swap3A_482 = arith.constant 80 : index
        %swap3A_483 = tpu.vector_load %arg6[%swap3A_481, %swap3A_482] {strides = array<i32>} : memref<256x128xf32, #tpu.memory_space<vmem>>, vector<1x16xf32>,
        %swap3A_484 = vector.shape_cast %swap3A_483 : vector<1x16xf32> to vector<16xf32>
        %swap3A_485 = vector.shape_cast %mul3A_480 : vector<16xf32> to vector<1x16xf32>
        tpu.vector_store %arg6[%swap3A_481, %swap3A_482], %swap3A_485 {strides = array<i32>} : memref<256x128xf32, #tpu.memory_space<vmem>>, vector<1x16xf32>,
        %get3A_486 = arith.index_cast %add3A_413 : i32 to index
        %get3A_487 = arith.constant 96 : index
        %get3A_488 = tpu.vector_load %arg6[%get3A_486, %get3A_487] {strides = array<i32>} : memref<256x128xf32, #tpu.memory_space<vmem>>, vector<1x16xf32>,
        %get3A_489 = vector.shape_cast %get3A_488 : vector<1x16xf32> to vector<16xf32>
        %mul3A_490 = arith.constant 11.3137083 : f32
        %mul3A_491 = vector.broadcast %mul3A_490 : f32 to vector<16xf32>
        %mul3A_492 = arith.mulf %get3A_489, %mul3A_491 : vector<16xf32>
        %swap3A_493 = arith.index_cast %add3A_413 : i32 to index
        %swap3A_494 = arith.constant 96 : index
        %swap3A_495 = tpu.vector_load %arg6[%swap3A_493, %swap3A_494] {strides = array<i32>} : memref<256x128xf32, #tpu.memory_space<vmem>>, vector<1x16xf32>,
        %swap3A_496 = vector.shape_cast %swap3A_495 : vector<1x16xf32> to vector<16xf32>
        %swap3A_497 = vector.shape_cast %mul3A_492 : vector<16xf32> to vector<1x16xf32>
        tpu.vector_store %arg6[%swap3A_493, %swap3A_494], %swap3A_497 {strides = array<i32>} : memref<256x128xf32, #tpu.memory_space<vmem>>, vector<1x16xf32>,
        %get3A_498 = arith.index_cast %add3A_413 : i32 to index
        %get3A_499 = arith.constant 112 : index
        %get3A_500 = tpu.vector_load %arg6[%get3A_498, %get3A_499] {strides = array<i32>} : memref<256x128xf32, #tpu.memory_space<vmem>>, vector<1x16xf32>,
        %get3A_501 = vector.shape_cast %get3A_500 : vector<1x16xf32> to vector<16xf32>
        %mul3A_502 = arith.constant 11.3137083 : f32
        %mul3A_503 = vector.broadcast %mul3A_502 : f32 to vector<16xf32>
        %mul3A_504 = arith.mulf %get3A_501, %mul3A_503 : vector<16xf32>
        %swap3A_505 = arith.index_cast %add3A_413 : i32 to index
        %swap3A_506 = arith.constant 112 : index
        %swap3A_507 = tpu.vector_load %arg6[%swap3A_505, %swap3A_506] {strides = array<i32>} : memref<256x128xf32, #tpu.memory_space<vmem>>, vector<1x16xf32>,
        %swap3A_508 = vector.shape_cast %swap3A_507 : vector<1x16xf32> to vector<16xf32>
        %swap3A_509 = vector.shape_cast %mul3A_504 : vector<16xf32> to vector<1x16xf32>
        tpu.vector_store %arg6[%swap3A_505, %swap3A_506], %swap3A_509 {strides = array<i32>} : memref<256x128xf32, #tpu.memory_space<vmem>>, vector<1x16xf32>,
      }
      %scan3A_65 = arith.constant 256 : i32
      %dma_start3A_66 = arith.constant 0 : i32
      %dma_start3A_67 = arith.constant 0 : i32
      %dma_start3A_68 = tpu.memref_slice %arg4[%add3A, %add3A_47, %dma_start3A_66, %dma_start3A_67] : memref<32x100x256x128xf32, #tpu.memory_space<hbm>> -> memref<1x1x256x128xf32, #tpu.memory_space<hbm>>
      %dma_start3A_69 = tpu.memref_squeeze %dma_start3A_68 : memref<1x1x256x128xf32, #tpu.memory_space<hbm>> -> memref<256x128xf32, #tpu.memory_space<hbm>>
      %dma_start3A_70 = arith.constant 0 : i32
      %dma_start3A_71 = arith.constant 0 : i32
      %dma_start3A_72 = tpu.memref_slice %arg4[%add3A, %add3A_47, %dma_start3A_70, %dma_start3A_71] : memref<32x100x256x128xf32, #tpu.memory_space<hbm>> -> memref<1x1x256x128xf32, #tpu.memory_space<hbm>>
      %dma_start3A_73 = tpu.memref_squeeze %dma_start3A_72 : memref<1x1x256x128xf32, #tpu.memory_space<hbm>> -> memref<256x128xf32, #tpu.memory_space<hbm>>
      tpu.enqueue_dma source(%arg6 : memref<256x128xf32, #tpu.memory_space<vmem>>) target(%dma_start3A_73 : memref<256x128xf32, #tpu.memory_space<hbm>>) target_semaphore(%arg10 : memref<!tpu.dma_semaphore, #tpu.memory_space<semaphore_mem>>)
      %add3A_74 = arith.constant 1 : i32
      %add3A_75 = arith.addi %add3A_45, %add3A_74 : i32
      %add3A_76 = arith.constant 1 : i32
      %add3A_77 = arith.addi %add3A_75, %add3A_76 : i32
      %lt3A_78 = arith.constant 100 : i32
      %lt3A_79 = arith.cmpi slt, %add3A_77, %lt3A_78 : i32
      %convert_element_type3A_80 = arith.extui %lt3A_79 : i1 to i32
      %cond3A_81 = arith.constant 0 : i32
      %cond3A_82 = arith.cmpi ne, %convert_element_type3A_80, %cond3A_81 : i32
      scf.if %cond3A_82 {
        %ge3A = arith.constant 1 : i32
        %ge3A_105 = arith.cmpi sge, %add3A_75, %ge3A : i32
        %convert_element_type3A_106 = arith.extui %ge3A_105 : i1 to i32
        %cond3A_107 = arith.constant 0 : i32
        %cond3A_108 = arith.cmpi ne, %convert_element_type3A_106, %cond3A_107 : i32
        scf.if %cond3A_108 {
          %dma_wait3A_137 = arith.constant 0 : i32
          %dma_wait3A_138 = arith.constant 0 : i32
          %dma_wait3A_139 = arith.constant 0 : i32
          %dma_wait3A_140 = tpu.memref_slice %arg4[%add3A, %dma_wait3A_137, %dma_wait3A_138, %dma_wait3A_139] : memref<32x100x256x128xf32, #tpu.memory_space<hbm>> -> memref<1x1x256x128xf32, #tpu.memory_space<hbm>>
          %dma_wait3A_141 = tpu.memref_squeeze %dma_wait3A_140 : memref<1x1x256x128xf32, #tpu.memory_space<hbm>> -> memref<256x128xf32, #tpu.memory_space<hbm>>
          %dma_wait3A_142 = arith.constant 0 : i32
          %dma_wait3A_143 = arith.constant 0 : i32
          %dma_wait3A_144 = tpu.memref_slice %arg4[%add3A, %dma_wait3A_137, %dma_wait3A_142, %dma_wait3A_143] : memref<32x100x256x128xf32, #tpu.memory_space<hbm>> -> memref<1x1x256x128xf32, #tpu.memory_space<hbm>>
          %dma_wait3A_145 = tpu.memref_squeeze %dma_wait3A_144 : memref<1x1x256x128xf32, #tpu.memory_space<hbm>> -> memref<256x128xf32, #tpu.memory_space<hbm>>
          tpu.wait_dma2 semaphore(%arg10 : memref<!tpu.dma_semaphore, #tpu.memory_space<semaphore_mem>>) src(%arg6 : memref<256x128xf32, #tpu.memory_space<vmem>>) dst(%dma_wait3A_145 : memref<256x128xf32, #tpu.memory_space<hbm>>)
        } else {
        }
        %add3A_109 = arith.constant 1 : i32
        %add3A_110 = arith.addi %add3A_75, %add3A_109 : i32
        %mul3A_111 = arith.constant 2 : i32
        %mul3A_112 = arith.muli %add3A_110, %mul3A_111 : i32
        %add3A_113 = arith.constant 0 : i32
        %add3A_114 = arith.addi %mul3A_112, %add3A_113 : i32
        %dma_start3A_115 = arith.constant 0 : i32
        %dma_start3A_116 = arith.constant 0 : i32
        %dma_start3A_117 = tpu.memref_slice %arg6[%dma_start3A_115, %dma_start3A_116] : memref<256x128xf32, #tpu.memory_space<vmem>> -> memref<128x128xf32, #tpu.memory_space<vmem>>
        %dma_start3A_118 = arith.constant 0 : i32
        %dma_start3A_119 = tpu.memref_slice %arg5[%add3A_114, %dma_start3A_118] : memref<200x128xi32, #tpu.memory_space<vmem>> -> memref<1x128xi32, #tpu.memory_space<vmem>>
        %dma_start3A_120 = tpu.memref_squeeze %dma_start3A_119 : memref<1x128xi32, #tpu.memory_space<vmem>> -> memref<128xi32, #tpu.memory_space<vmem>>
        %dma_start3A_121 = arith.constant 0 : i32
        %dma_start3A_122 = arith.constant 0 : i32
        %dma_start3A_123 = tpu.memref_slice %arg2[%dma_start3A_121, %dma_start3A_122] : memref<100000x128xf32, #tpu.memory_space<hbm>> -> memref<100000x128xf32, #tpu.memory_space<hbm>>
        tpu.enqueue_indirect_dma source(%dma_start3A_123 : memref<100000x128xf32, #tpu.memory_space<hbm>>) target(%dma_start3A_117 : memref<128x128xf32, #tpu.memory_space<vmem>>) offsets(%dma_start3A_120 : memref<128xi32, #tpu.memory_space<vmem>>) semaphore(%arg8 : memref<!tpu.dma_semaphore, #tpu.memory_space<semaphore_mem>>)
        %mul3A_124 = arith.constant 2 : i32
        %mul3A_125 = arith.muli %add3A_110, %mul3A_124 : i32
        %add3A_126 = arith.constant 1 : i32
        %add3A_127 = arith.addi %mul3A_125, %add3A_126 : i32
        %dma_start3A_128 = arith.constant 128 : i32
        %dma_start3A_129 = arith.constant 0 : i32
        %dma_start3A_130 = tpu.memref_slice %arg6[%dma_start3A_128, %dma_start3A_129] : memref<256x128xf32, #tpu.memory_space<vmem>> -> memref<128x128xf32, #tpu.memory_space<vmem>>
        %dma_start3A_131 = arith.constant 0 : i32
        %dma_start3A_132 = tpu.memref_slice %arg5[%add3A_127, %dma_start3A_131] : memref<200x128xi32, #tpu.memory_space<vmem>> -> memref<1x128xi32, #tpu.memory_space<vmem>>
        %dma_start3A_133 = tpu.memref_squeeze %dma_start3A_132 : memref<1x128xi32, #tpu.memory_space<vmem>> -> memref<128xi32, #tpu.memory_space<vmem>>
        %dma_start3A_134 = arith.constant 0 : i32
        %dma_start3A_135 = arith.constant 0 : i32
        %dma_start3A_136 = tpu.memref_slice %arg2[%dma_start3A_134, %dma_start3A_135] : memref<100000x128xf32, #tpu.memory_space<hbm>> -> memref<100000x128xf32, #tpu.memory_space<hbm>>
        tpu.enqueue_indirect_dma source(%dma_start3A_136 : memref<100000x128xf32, #tpu.memory_space<hbm>>) target(%dma_start3A_130 : memref<128x128xf32, #tpu.memory_space<vmem>>) offsets(%dma_start3A_133 : memref<128xi32, #tpu.memory_space<vmem>>) semaphore(%arg8 : memref<!tpu.dma_semaphore, #tpu.memory_space<semaphore_mem>>)
      } else {
      }
      %dma_wait3A_83 = arith.constant 0 : i32
      %dma_wait3A_84 = arith.constant 0 : i32
      %dma_wait3A_85 = arith.constant 0 : i32
      %dma_wait3A_86 = tpu.memref_slice %arg4[%add3A, %dma_wait3A_83, %dma_wait3A_84, %dma_wait3A_85] : memref<32x100x256x128xf32, #tpu.memory_space<hbm>> -> memref<1x1x256x128xf32, #tpu.memory_space<hbm>>
      %dma_wait3A_87 = tpu.memref_squeeze %dma_wait3A_86 : memref<1x1x256x128xf32, #tpu.memory_space<hbm>> -> memref<256x128xf32, #tpu.memory_space<hbm>>
      %dma_wait3A_88 = arith.constant 0 : i32
      %dma_wait3A_89 = arith.constant 0 : i32
      %dma_wait3A_90 = tpu.memref_slice %arg4[%add3A, %dma_wait3A_83, %dma_wait3A_88, %dma_wait3A_89] : memref<32x100x256x128xf32, #tpu.memory_space<hbm>> -> memref<1x1x256x128xf32, #tpu.memory_space<hbm>>
      %dma_wait3A_91 = tpu.memref_squeeze %dma_wait3A_90 : memref<1x1x256x128xf32, #tpu.memory_space<hbm>> -> memref<256x128xf32, #tpu.memory_space<hbm>>
      tpu.wait_dma2 semaphore(%arg9 : memref<!tpu.dma_semaphore, #tpu.memory_space<semaphore_mem>>) src(%dma_wait3A_91 : memref<256x128xf32, #tpu.memory_space<hbm>>) dst(%arg7 : memref<256x128xf32, #tpu.memory_space<vmem>>)
      %scan3A_92 = arith.constant 0 : i32
      %scan3A_93 = arith.constant 256 : i32
      %scan3A_94 = arith.addi %scan3A_92, %scan3A_93 : i32
      %scan3A_95 = arith.constant 4 : i32
      scf.for %scan3A_105 = %scan3A_92 to %scan3A_94 step %scan3A_95  : i32 {
        %mul3A_106 = arith.constant 1 : i32
        %mul3A_107 = arith.muli %scan3A_105, %mul3A_106 : i32
        %add3A_108 = arith.constant 0 : i32
        %add3A_109 = arith.addi %add3A_108, %mul3A_107 : i32
        %get3A = arith.index_cast %add3A_109 : i32 to index
        %get3A_110 = arith.constant 0 : index
        %get3A_111 = tpu.vector_load %arg7[%get3A, %get3A_110] {strides = array<i32>} : memref<256x128xf32, #tpu.memory_space<vmem>>, vector<1x16xf32>,
        %get3A_112 = vector.shape_cast %get3A_111 : vector<1x16xf32> to vector<16xf32>
        %mul3A_113 = arith.constant 11.3137083 : f32
        %mul3A_114 = vector.broadcast %mul3A_113 : f32 to vector<16xf32>
        %mul3A_115 = arith.mulf %get3A_112, %mul3A_114 : vector<16xf32>
        %swap3A = arith.index_cast %add3A_109 : i32 to index
        %swap3A_116 = arith.constant 0 : index
        %swap3A_117 = tpu.vector_load %arg7[%swap3A, %swap3A_116] {strides = array<i32>} : memref<256x128xf32, #tpu.memory_space<vmem>>, vector<1x16xf32>,
        %swap3A_118 = vector.shape_cast %swap3A_117 : vector<1x16xf32> to vector<16xf32>
        %swap3A_119 = vector.shape_cast %mul3A_115 : vector<16xf32> to vector<1x16xf32>
        tpu.vector_store %arg7[%swap3A, %swap3A_116], %swap3A_119 {strides = array<i32>} : memref<256x128xf32, #tpu.memory_space<vmem>>, vector<1x16xf32>,
        %get3A_120 = arith.index_cast %add3A_109 : i32 to index
        %get3A_121 = arith.constant 16 : index
        %get3A_122 = tpu.vector_load %arg7[%get3A_120, %get3A_121] {strides = array<i32>} : memref<256x128xf32, #tpu.memory_space<vmem>>, vector<1x16xf32>,
        %get3A_123 = vector.shape_cast %get3A_122 : vector<1x16xf32> to vector<16xf32>
        %mul3A_124 = arith.constant 11.3137083 : f32
        %mul3A_125 = vector.broadcast %mul3A_124 : f32 to vector<16xf32>
        %mul3A_126 = arith.mulf %get3A_123, %mul3A_125 : vector<16xf32>
        %swap3A_127 = arith.index_cast %add3A_109 : i32 to index
        %swap3A_128 = arith.constant 16 : index
        %swap3A_129 = tpu.vector_load %arg7[%swap3A_127, %swap3A_128] {strides = array<i32>} : memref<256x128xf32, #tpu.memory_space<vmem>>, vector<1x16xf32>,
        %swap3A_130 = vector.shape_cast %swap3A_129 : vector<1x16xf32> to vector<16xf32>
        %swap3A_131 = vector.shape_cast %mul3A_126 : vector<16xf32> to vector<1x16xf32>
        tpu.vector_store %arg7[%swap3A_127, %swap3A_128], %swap3A_131 {strides = array<i32>} : memref<256x128xf32, #tpu.memory_space<vmem>>, vector<1x16xf32>,
        %get3A_132 = arith.index_cast %add3A_109 : i32 to index
        %get3A_133 = arith.constant 32 : index
        %get3A_134 = tpu.vector_load %arg7[%get3A_132, %get3A_133] {strides = array<i32>} : memref<256x128xf32, #tpu.memory_space<vmem>>, vector<1x16xf32>,
        %get3A_135 = vector.shape_cast %get3A_134 : vector<1x16xf32> to vector<16xf32>
        %mul3A_136 = arith.constant 11.3137083 : f32
        %mul3A_137 = vector.broadcast %mul3A_136 : f32 to vector<16xf32>
        %mul3A_138 = arith.mulf %get3A_135, %mul3A_137 : vector<16xf32>
        %swap3A_139 = arith.index_cast %add3A_109 : i32 to index
        %swap3A_140 = arith.constant 32 : index
        %swap3A_141 = tpu.vector_load %arg7[%swap3A_139, %swap3A_140] {strides = array<i32>} : memref<256x128xf32, #tpu.memory_space<vmem>>, vector<1x16xf32>,
        %swap3A_142 = vector.shape_cast %swap3A_141 : vector<1x16xf32> to vector<16xf32>
        %swap3A_143 = vector.shape_cast %mul3A_138 : vector<16xf32> to vector<1x16xf32>
        tpu.vector_store %arg7[%swap3A_139, %swap3A_140], %swap3A_143 {strides = array<i32>} : memref<256x128xf32, #tpu.memory_space<vmem>>, vector<1x16xf32>,
        %get3A_144 = arith.index_cast %add3A_109 : i32 to index
        %get3A_145 = arith.constant 48 : index
        %get3A_146 = tpu.vector_load %arg7[%get3A_144, %get3A_145] {strides = array<i32>} : memref<256x128xf32, #tpu.memory_space<vmem>>, vector<1x16xf32>,
        %get3A_147 = vector.shape_cast %get3A_146 : vector<1x16xf32> to vector<16xf32>
        %mul3A_148 = arith.constant 11.3137083 : f32
        %mul3A_149 = vector.broadcast %mul3A_148 : f32 to vector<16xf32>
        %mul3A_150 = arith.mulf %get3A_147, %mul3A_149 : vector<16xf32>
        %swap3A_151 = arith.index_cast %add3A_109 : i32 to index
        %swap3A_152 = arith.constant 48 : index
        %swap3A_153 = tpu.vector_load %arg7[%swap3A_151, %swap3A_152] {strides = array<i32>} : memref<256x128xf32, #tpu.memory_space<vmem>>, vector<1x16xf32>,
        %swap3A_154 = vector.shape_cast %swap3A_153 : vector<1x16xf32> to vector<16xf32>
        %swap3A_155 = vector.shape_cast %mul3A_150 : vector<16xf32> to vector<1x16xf32>
        tpu.vector_store %arg7[%swap3A_151, %swap3A_152], %swap3A_155 {strides = array<i32>} : memref<256x128xf32, #tpu.memory_space<vmem>>, vector<1x16xf32>,
        %get3A_156 = arith.index_cast %add3A_109 : i32 to index
        %get3A_157 = arith.constant 64 : index
        %get3A_158 = tpu.vector_load %arg7[%get3A_156, %get3A_157] {strides = array<i32>} : memref<256x128xf32, #tpu.memory_space<vmem>>, vector<1x16xf32>,
        %get3A_159 = vector.shape_cast %get3A_158 : vector<1x16xf32> to vector<16xf32>
        %mul3A_160 = arith.constant 11.3137083 : f32
        %mul3A_161 = vector.broadcast %mul3A_160 : f32 to vector<16xf32>
        %mul3A_162 = arith.mulf %get3A_159, %mul3A_161 : vector<16xf32>
        %swap3A_163 = arith.index_cast %add3A_109 : i32 to index
        %swap3A_164 = arith.constant 64 : index
        %swap3A_165 = tpu.vector_load %arg7[%swap3A_163, %swap3A_164] {strides = array<i32>} : memref<256x128xf32, #tpu.memory_space<vmem>>, vector<1x16xf32>,
        %swap3A_166 = vector.shape_cast %swap3A_165 : vector<1x16xf32> to vector<16xf32>
        %swap3A_167 = vector.shape_cast %mul3A_162 : vector<16xf32> to vector<1x16xf32>
        tpu.vector_store %arg7[%swap3A_163, %swap3A_164], %swap3A_167 {strides = array<i32>} : memref<256x128xf32, #tpu.memory_space<vmem>>, vector<1x16xf32>,
        %get3A_168 = arith.index_cast %add3A_109 : i32 to index
        %get3A_169 = arith.constant 80 : index
        %get3A_170 = tpu.vector_load %arg7[%get3A_168, %get3A_169] {strides = array<i32>} : memref<256x128xf32, #tpu.memory_space<vmem>>, vector<1x16xf32>,
        %get3A_171 = vector.shape_cast %get3A_170 : vector<1x16xf32> to vector<16xf32>
        %mul3A_172 = arith.constant 11.3137083 : f32
        %mul3A_173 = vector.broadcast %mul3A_172 : f32 to vector<16xf32>
        %mul3A_174 = arith.mulf %get3A_171, %mul3A_173 : vector<16xf32>
        %swap3A_175 = arith.index_cast %add3A_109 : i32 to index
        %swap3A_176 = arith.constant 80 : index
        %swap3A_177 = tpu.vector_load %arg7[%swap3A_175, %swap3A_176] {strides = array<i32>} : memref<256x128xf32, #tpu.memory_space<vmem>>, vector<1x16xf32>,
        %swap3A_178 = vector.shape_cast %swap3A_177 : vector<1x16xf32> to vector<16xf32>
        %swap3A_179 = vector.shape_cast %mul3A_174 : vector<16xf32> to vector<1x16xf32>
        tpu.vector_store %arg7[%swap3A_175, %swap3A_176], %swap3A_179 {strides = array<i32>} : memref<256x128xf32, #tpu.memory_space<vmem>>, vector<1x16xf32>,
        %get3A_180 = arith.index_cast %add3A_109 : i32 to index
        %get3A_181 = arith.constant 96 : index
        %get3A_182 = tpu.vector_load %arg7[%get3A_180, %get3A_181] {strides = array<i32>} : memref<256x128xf32, #tpu.memory_space<vmem>>, vector<1x16xf32>,
        %get3A_183 = vector.shape_cast %get3A_182 : vector<1x16xf32> to vector<16xf32>
        %mul3A_184 = arith.constant 11.3137083 : f32
        %mul3A_185 = vector.broadcast %mul3A_184 : f32 to vector<16xf32>
        %mul3A_186 = arith.mulf %get3A_183, %mul3A_185 : vector<16xf32>
        %swap3A_187 = arith.index_cast %add3A_109 : i32 to index
        %swap3A_188 = arith.constant 96 : index
        %swap3A_189 = tpu.vector_load %arg7[%swap3A_187, %swap3A_188] {strides = array<i32>} : memref<256x128xf32, #tpu.memory_space<vmem>>, vector<1x16xf32>,
        %swap3A_190 = vector.shape_cast %swap3A_189 : vector<1x16xf32> to vector<16xf32>
        %swap3A_191 = vector.shape_cast %mul3A_186 : vector<16xf32> to vector<1x16xf32>
        tpu.vector_store %arg7[%swap3A_187, %swap3A_188], %swap3A_191 {strides = array<i32>} : memref<256x128xf32, #tpu.memory_space<vmem>>, vector<1x16xf32>,
        %get3A_192 = arith.index_cast %add3A_109 : i32 to index
        %get3A_193 = arith.constant 112 : index
        %get3A_194 = tpu.vector_load %arg7[%get3A_192, %get3A_193] {strides = array<i32>} : memref<256x128xf32, #tpu.memory_space<vmem>>, vector<1x16xf32>,
        %get3A_195 = vector.shape_cast %get3A_194 : vector<1x16xf32> to vector<16xf32>
        %mul3A_196 = arith.constant 11.3137083 : f32
        %mul3A_197 = vector.broadcast %mul3A_196 : f32 to vector<16xf32>
        %mul3A_198 = arith.mulf %get3A_195, %mul3A_197 : vector<16xf32>
        %swap3A_199 = arith.index_cast %add3A_109 : i32 to index
        %swap3A_200 = arith.constant 112 : index
        %swap3A_201 = tpu.vector_load %arg7[%swap3A_199, %swap3A_200] {strides = array<i32>} : memref<256x128xf32, #tpu.memory_space<vmem>>, vector<1x16xf32>,
        %swap3A_202 = vector.shape_cast %swap3A_201 : vector<1x16xf32> to vector<16xf32>
        %swap3A_203 = vector.shape_cast %mul3A_198 : vector<16xf32> to vector<1x16xf32>
        tpu.vector_store %arg7[%swap3A_199, %swap3A_200], %swap3A_203 {strides = array<i32>} : memref<256x128xf32, #tpu.memory_space<vmem>>, vector<1x16xf32>,
        %scan3A_204 = arith.constant 1 : i32
        %scan3A_205 = arith.addi %scan3A_105, %scan3A_204 : i32
        %mul3A_206 = arith.constant 1 : i32
        %mul3A_207 = arith.muli %scan3A_205, %mul3A_206 : i32
        %add3A_208 = arith.constant 0 : i32
        %add3A_209 = arith.addi %add3A_208, %mul3A_207 : i32
        %get3A_210 = arith.index_cast %add3A_209 : i32 to index
        %get3A_211 = arith.constant 0 : index
        %get3A_212 = tpu.vector_load %arg7[%get3A_210, %get3A_211] {strides = array<i32>} : memref<256x128xf32, #tpu.memory_space<vmem>>, vector<1x16xf32>,
        %get3A_213 = vector.shape_cast %get3A_212 : vector<1x16xf32> to vector<16xf32>
        %mul3A_214 = arith.constant 11.3137083 : f32
        %mul3A_215 = vector.broadcast %mul3A_214 : f32 to vector<16xf32>
        %mul3A_216 = arith.mulf %get3A_213, %mul3A_215 : vector<16xf32>
        %swap3A_217 = arith.index_cast %add3A_209 : i32 to index
        %swap3A_218 = arith.constant 0 : index
        %swap3A_219 = tpu.vector_load %arg7[%swap3A_217, %swap3A_218] {strides = array<i32>} : memref<256x128xf32, #tpu.memory_space<vmem>>, vector<1x16xf32>,
        %swap3A_220 = vector.shape_cast %swap3A_219 : vector<1x16xf32> to vector<16xf32>
        %swap3A_221 = vector.shape_cast %mul3A_216 : vector<16xf32> to vector<1x16xf32>
        tpu.vector_store %arg7[%swap3A_217, %swap3A_218], %swap3A_221 {strides = array<i32>} : memref<256x128xf32, #tpu.memory_space<vmem>>, vector<1x16xf32>,
        %get3A_222 = arith.index_cast %add3A_209 : i32 to index
        %get3A_223 = arith.constant 16 : index
        %get3A_224 = tpu.vector_load %arg7[%get3A_222, %get3A_223] {strides = array<i32>} : memref<256x128xf32, #tpu.memory_space<vmem>>, vector<1x16xf32>,
        %get3A_225 = vector.shape_cast %get3A_224 : vector<1x16xf32> to vector<16xf32>
        %mul3A_226 = arith.constant 11.3137083 : f32
        %mul3A_227 = vector.broadcast %mul3A_226 : f32 to vector<16xf32>
        %mul3A_228 = arith.mulf %get3A_225, %mul3A_227 : vector<16xf32>
        %swap3A_229 = arith.index_cast %add3A_209 : i32 to index
        %swap3A_230 = arith.constant 16 : index
        %swap3A_231 = tpu.vector_load %arg7[%swap3A_229, %swap3A_230] {strides = array<i32>} : memref<256x128xf32, #tpu.memory_space<vmem>>, vector<1x16xf32>,
        %swap3A_232 = vector.shape_cast %swap3A_231 : vector<1x16xf32> to vector<16xf32>
        %swap3A_233 = vector.shape_cast %mul3A_228 : vector<16xf32> to vector<1x16xf32>
        tpu.vector_store %arg7[%swap3A_229, %swap3A_230], %swap3A_233 {strides = array<i32>} : memref<256x128xf32, #tpu.memory_space<vmem>>, vector<1x16xf32>,
        %get3A_234 = arith.index_cast %add3A_209 : i32 to index
        %get3A_235 = arith.constant 32 : index
        %get3A_236 = tpu.vector_load %arg7[%get3A_234, %get3A_235] {strides = array<i32>} : memref<256x128xf32, #tpu.memory_space<vmem>>, vector<1x16xf32>,
        %get3A_237 = vector.shape_cast %get3A_236 : vector<1x16xf32> to vector<16xf32>
        %mul3A_238 = arith.constant 11.3137083 : f32
        %mul3A_239 = vector.broadcast %mul3A_238 : f32 to vector<16xf32>
        %mul3A_240 = arith.mulf %get3A_237, %mul3A_239 : vector<16xf32>
        %swap3A_241 = arith.index_cast %add3A_209 : i32 to index
        %swap3A_242 = arith.constant 32 : index
        %swap3A_243 = tpu.vector_load %arg7[%swap3A_241, %swap3A_242] {strides = array<i32>} : memref<256x128xf32, #tpu.memory_space<vmem>>, vector<1x16xf32>,
        %swap3A_244 = vector.shape_cast %swap3A_243 : vector<1x16xf32> to vector<16xf32>
        %swap3A_245 = vector.shape_cast %mul3A_240 : vector<16xf32> to vector<1x16xf32>
        tpu.vector_store %arg7[%swap3A_241, %swap3A_242], %swap3A_245 {strides = array<i32>} : memref<256x128xf32, #tpu.memory_space<vmem>>, vector<1x16xf32>,
        %get3A_246 = arith.index_cast %add3A_209 : i32 to index
        %get3A_247 = arith.constant 48 : index
        %get3A_248 = tpu.vector_load %arg7[%get3A_246, %get3A_247] {strides = array<i32>} : memref<256x128xf32, #tpu.memory_space<vmem>>, vector<1x16xf32>,
        %get3A_249 = vector.shape_cast %get3A_248 : vector<1x16xf32> to vector<16xf32>
        %mul3A_250 = arith.constant 11.3137083 : f32
        %mul3A_251 = vector.broadcast %mul3A_250 : f32 to vector<16xf32>
        %mul3A_252 = arith.mulf %get3A_249, %mul3A_251 : vector<16xf32>
        %swap3A_253 = arith.index_cast %add3A_209 : i32 to index
        %swap3A_254 = arith.constant 48 : index
        %swap3A_255 = tpu.vector_load %arg7[%swap3A_253, %swap3A_254] {strides = array<i32>} : memref<256x128xf32, #tpu.memory_space<vmem>>, vector<1x16xf32>,
        %swap3A_256 = vector.shape_cast %swap3A_255 : vector<1x16xf32> to vector<16xf32>
        %swap3A_257 = vector.shape_cast %mul3A_252 : vector<16xf32> to vector<1x16xf32>
        tpu.vector_store %arg7[%swap3A_253, %swap3A_254], %swap3A_257 {strides = array<i32>} : memref<256x128xf32, #tpu.memory_space<vmem>>, vector<1x16xf32>,
        %get3A_258 = arith.index_cast %add3A_209 : i32 to index
        %get3A_259 = arith.constant 64 : index
        %get3A_260 = tpu.vector_load %arg7[%get3A_258, %get3A_259] {strides = array<i32>} : memref<256x128xf32, #tpu.memory_space<vmem>>, vector<1x16xf32>,
        %get3A_261 = vector.shape_cast %get3A_260 : vector<1x16xf32> to vector<16xf32>
        %mul3A_262 = arith.constant 11.3137083 : f32
        %mul3A_263 = vector.broadcast %mul3A_262 : f32 to vector<16xf32>
        %mul3A_264 = arith.mulf %get3A_261, %mul3A_263 : vector<16xf32>
        %swap3A_265 = arith.index_cast %add3A_209 : i32 to index
        %swap3A_266 = arith.constant 64 : index
        %swap3A_267 = tpu.vector_load %arg7[%swap3A_265, %swap3A_266] {strides = array<i32>} : memref<256x128xf32, #tpu.memory_space<vmem>>, vector<1x16xf32>,
        %swap3A_268 = vector.shape_cast %swap3A_267 : vector<1x16xf32> to vector<16xf32>
        %swap3A_269 = vector.shape_cast %mul3A_264 : vector<16xf32> to vector<1x16xf32>
        tpu.vector_store %arg7[%swap3A_265, %swap3A_266], %swap3A_269 {strides = array<i32>} : memref<256x128xf32, #tpu.memory_space<vmem>>, vector<1x16xf32>,
        %get3A_270 = arith.index_cast %add3A_209 : i32 to index
        %get3A_271 = arith.constant 80 : index
        %get3A_272 = tpu.vector_load %arg7[%get3A_270, %get3A_271] {strides = array<i32>} : memref<256x128xf32, #tpu.memory_space<vmem>>, vector<1x16xf32>,
        %get3A_273 = vector.shape_cast %get3A_272 : vector<1x16xf32> to vector<16xf32>
        %mul3A_274 = arith.constant 11.3137083 : f32
        %mul3A_275 = vector.broadcast %mul3A_274 : f32 to vector<16xf32>
        %mul3A_276 = arith.mulf %get3A_273, %mul3A_275 : vector<16xf32>
        %swap3A_277 = arith.index_cast %add3A_209 : i32 to index
        %swap3A_278 = arith.constant 80 : index
        %swap3A_279 = tpu.vector_load %arg7[%swap3A_277, %swap3A_278] {strides = array<i32>} : memref<256x128xf32, #tpu.memory_space<vmem>>, vector<1x16xf32>,
        %swap3A_280 = vector.shape_cast %swap3A_279 : vector<1x16xf32> to vector<16xf32>
        %swap3A_281 = vector.shape_cast %mul3A_276 : vector<16xf32> to vector<1x16xf32>
        tpu.vector_store %arg7[%swap3A_277, %swap3A_278], %swap3A_281 {strides = array<i32>} : memref<256x128xf32, #tpu.memory_space<vmem>>, vector<1x16xf32>,
        %get3A_282 = arith.index_cast %add3A_209 : i32 to index
        %get3A_283 = arith.constant 96 : index
        %get3A_284 = tpu.vector_load %arg7[%get3A_282, %get3A_283] {strides = array<i32>} : memref<256x128xf32, #tpu.memory_space<vmem>>, vector<1x16xf32>,
        %get3A_285 = vector.shape_cast %get3A_284 : vector<1x16xf32> to vector<16xf32>
        %mul3A_286 = arith.constant 11.3137083 : f32
        %mul3A_287 = vector.broadcast %mul3A_286 : f32 to vector<16xf32>
        %mul3A_288 = arith.mulf %get3A_285, %mul3A_287 : vector<16xf32>
        %swap3A_289 = arith.index_cast %add3A_209 : i32 to index
        %swap3A_290 = arith.constant 96 : index
        %swap3A_291 = tpu.vector_load %arg7[%swap3A_289, %swap3A_290] {strides = array<i32>} : memref<256x128xf32, #tpu.memory_space<vmem>>, vector<1x16xf32>,
        %swap3A_292 = vector.shape_cast %swap3A_291 : vector<1x16xf32> to vector<16xf32>
        %swap3A_293 = vector.shape_cast %mul3A_288 : vector<16xf32> to vector<1x16xf32>
        tpu.vector_store %arg7[%swap3A_289, %swap3A_290], %swap3A_293 {strides = array<i32>} : memref<256x128xf32, #tpu.memory_space<vmem>>, vector<1x16xf32>,
        %get3A_294 = arith.index_cast %add3A_209 : i32 to index
        %get3A_295 = arith.constant 112 : index
        %get3A_296 = tpu.vector_load %arg7[%get3A_294, %get3A_295] {strides = array<i32>} : memref<256x128xf32, #tpu.memory_space<vmem>>, vector<1x16xf32>,
        %get3A_297 = vector.shape_cast %get3A_296 : vector<1x16xf32> to vector<16xf32>
        %mul3A_298 = arith.constant 11.3137083 : f32
        %mul3A_299 = vector.broadcast %mul3A_298 : f32 to vector<16xf32>
        %mul3A_300 = arith.mulf %get3A_297, %mul3A_299 : vector<16xf32>
        %swap3A_301 = arith.index_cast %add3A_209 : i32 to index
        %swap3A_302 = arith.constant 112 : index
        %swap3A_303 = tpu.vector_load %arg7[%swap3A_301, %swap3A_302] {strides = array<i32>} : memref<256x128xf32, #tpu.memory_space<vmem>>, vector<1x16xf32>,
        %swap3A_304 = vector.shape_cast %swap3A_303 : vector<1x16xf32> to vector<16xf32>
        %swap3A_305 = vector.shape_cast %mul3A_300 : vector<16xf32> to vector<1x16xf32>
        tpu.vector_store %arg7[%swap3A_301, %swap3A_302], %swap3A_305 {strides = array<i32>} : memref<256x128xf32, #tpu.memory_space<vmem>>, vector<1x16xf32>,
        %scan3A_306 = arith.constant 2 : i32
        %scan3A_307 = arith.addi %scan3A_105, %scan3A_306 : i32
        %mul3A_308 = arith.constant 1 : i32
        %mul3A_309 = arith.muli %scan3A_307, %mul3A_308 : i32
        %add3A_310 = arith.constant 0 : i32
        %add3A_311 = arith.addi %add3A_310, %mul3A_309 : i32
        %get3A_312 = arith.index_cast %add3A_311 : i32 to index
        %get3A_313 = arith.constant 0 : index
        %get3A_314 = tpu.vector_load %arg7[%get3A_312, %get3A_313] {strides = array<i32>} : memref<256x128xf32, #tpu.memory_space<vmem>>, vector<1x16xf32>,
        %get3A_315 = vector.shape_cast %get3A_314 : vector<1x16xf32> to vector<16xf32>
        %mul3A_316 = arith.constant 11.3137083 : f32
        %mul3A_317 = vector.broadcast %mul3A_316 : f32 to vector<16xf32>
        %mul3A_318 = arith.mulf %get3A_315, %mul3A_317 : vector<16xf32>
        %swap3A_319 = arith.index_cast %add3A_311 : i32 to index
        %swap3A_320 = arith.constant 0 : index
        %swap3A_321 = tpu.vector_load %arg7[%swap3A_319, %swap3A_320] {strides = array<i32>} : memref<256x128xf32, #tpu.memory_space<vmem>>, vector<1x16xf32>,
        %swap3A_322 = vector.shape_cast %swap3A_321 : vector<1x16xf32> to vector<16xf32>
        %swap3A_323 = vector.shape_cast %mul3A_318 : vector<16xf32> to vector<1x16xf32>
        tpu.vector_store %arg7[%swap3A_319, %swap3A_320], %swap3A_323 {strides = array<i32>} : memref<256x128xf32, #tpu.memory_space<vmem>>, vector<1x16xf32>,
        %get3A_324 = arith.index_cast %add3A_311 : i32 to index
        %get3A_325 = arith.constant 16 : index
        %get3A_326 = tpu.vector_load %arg7[%get3A_324, %get3A_325] {strides = array<i32>} : memref<256x128xf32, #tpu.memory_space<vmem>>, vector<1x16xf32>,
        %get3A_327 = vector.shape_cast %get3A_326 : vector<1x16xf32> to vector<16xf32>
        %mul3A_328 = arith.constant 11.3137083 : f32
        %mul3A_329 = vector.broadcast %mul3A_328 : f32 to vector<16xf32>
        %mul3A_330 = arith.mulf %get3A_327, %mul3A_329 : vector<16xf32>
        %swap3A_331 = arith.index_cast %add3A_311 : i32 to index
        %swap3A_332 = arith.constant 16 : index
        %swap3A_333 = tpu.vector_load %arg7[%swap3A_331, %swap3A_332] {strides = array<i32>} : memref<256x128xf32, #tpu.memory_space<vmem>>, vector<1x16xf32>,
        %swap3A_334 = vector.shape_cast %swap3A_333 : vector<1x16xf32> to vector<16xf32>
        %swap3A_335 = vector.shape_cast %mul3A_330 : vector<16xf32> to vector<1x16xf32>
        tpu.vector_store %arg7[%swap3A_331, %swap3A_332], %swap3A_335 {strides = array<i32>} : memref<256x128xf32, #tpu.memory_space<vmem>>, vector<1x16xf32>,
        %get3A_336 = arith.index_cast %add3A_311 : i32 to index
        %get3A_337 = arith.constant 32 : index
        %get3A_338 = tpu.vector_load %arg7[%get3A_336, %get3A_337] {strides = array<i32>} : memref<256x128xf32, #tpu.memory_space<vmem>>, vector<1x16xf32>,
        %get3A_339 = vector.shape_cast %get3A_338 : vector<1x16xf32> to vector<16xf32>
        %mul3A_340 = arith.constant 11.3137083 : f32
        %mul3A_341 = vector.broadcast %mul3A_340 : f32 to vector<16xf32>
        %mul3A_342 = arith.mulf %get3A_339, %mul3A_341 : vector<16xf32>
        %swap3A_343 = arith.index_cast %add3A_311 : i32 to index
        %swap3A_344 = arith.constant 32 : index
        %swap3A_345 = tpu.vector_load %arg7[%swap3A_343, %swap3A_344] {strides = array<i32>} : memref<256x128xf32, #tpu.memory_space<vmem>>, vector<1x16xf32>,
        %swap3A_346 = vector.shape_cast %swap3A_345 : vector<1x16xf32> to vector<16xf32>
        %swap3A_347 = vector.shape_cast %mul3A_342 : vector<16xf32> to vector<1x16xf32>
        tpu.vector_store %arg7[%swap3A_343, %swap3A_344], %swap3A_347 {strides = array<i32>} : memref<256x128xf32, #tpu.memory_space<vmem>>, vector<1x16xf32>,
        %get3A_348 = arith.index_cast %add3A_311 : i32 to index
        %get3A_349 = arith.constant 48 : index
        %get3A_350 = tpu.vector_load %arg7[%get3A_348, %get3A_349] {strides = array<i32>} : memref<256x128xf32, #tpu.memory_space<vmem>>, vector<1x16xf32>,
        %get3A_351 = vector.shape_cast %get3A_350 : vector<1x16xf32> to vector<16xf32>
        %mul3A_352 = arith.constant 11.3137083 : f32
        %mul3A_353 = vector.broadcast %mul3A_352 : f32 to vector<16xf32>
        %mul3A_354 = arith.mulf %get3A_351, %mul3A_353 : vector<16xf32>
        %swap3A_355 = arith.index_cast %add3A_311 : i32 to index
        %swap3A_356 = arith.constant 48 : index
        %swap3A_357 = tpu.vector_load %arg7[%swap3A_355, %swap3A_356] {strides = array<i32>} : memref<256x128xf32, #tpu.memory_space<vmem>>, vector<1x16xf32>,
        %swap3A_358 = vector.shape_cast %swap3A_357 : vector<1x16xf32> to vector<16xf32>
        %swap3A_359 = vector.shape_cast %mul3A_354 : vector<16xf32> to vector<1x16xf32>
        tpu.vector_store %arg7[%swap3A_355, %swap3A_356], %swap3A_359 {strides = array<i32>} : memref<256x128xf32, #tpu.memory_space<vmem>>, vector<1x16xf32>,
        %get3A_360 = arith.index_cast %add3A_311 : i32 to index
        %get3A_361 = arith.constant 64 : index
        %get3A_362 = tpu.vector_load %arg7[%get3A_360, %get3A_361] {strides = array<i32>} : memref<256x128xf32, #tpu.memory_space<vmem>>, vector<1x16xf32>,
        %get3A_363 = vector.shape_cast %get3A_362 : vector<1x16xf32> to vector<16xf32>
        %mul3A_364 = arith.constant 11.3137083 : f32
        %mul3A_365 = vector.broadcast %mul3A_364 : f32 to vector<16xf32>
        %mul3A_366 = arith.mulf %get3A_363, %mul3A_365 : vector<16xf32>
        %swap3A_367 = arith.index_cast %add3A_311 : i32 to index
        %swap3A_368 = arith.constant 64 : index
        %swap3A_369 = tpu.vector_load %arg7[%swap3A_367, %swap3A_368] {strides = array<i32>} : memref<256x128xf32, #tpu.memory_space<vmem>>, vector<1x16xf32>,
        %swap3A_370 = vector.shape_cast %swap3A_369 : vector<1x16xf32> to vector<16xf32>
        %swap3A_371 = vector.shape_cast %mul3A_366 : vector<16xf32> to vector<1x16xf32>
        tpu.vector_store %arg7[%swap3A_367, %swap3A_368], %swap3A_371 {strides = array<i32>} : memref<256x128xf32, #tpu.memory_space<vmem>>, vector<1x16xf32>,
        %get3A_372 = arith.index_cast %add3A_311 : i32 to index
        %get3A_373 = arith.constant 80 : index
        %get3A_374 = tpu.vector_load %arg7[%get3A_372, %get3A_373] {strides = array<i32>} : memref<256x128xf32, #tpu.memory_space<vmem>>, vector<1x16xf32>,
        %get3A_375 = vector.shape_cast %get3A_374 : vector<1x16xf32> to vector<16xf32>
        %mul3A_376 = arith.constant 11.3137083 : f32
        %mul3A_377 = vector.broadcast %mul3A_376 : f32 to vector<16xf32>
        %mul3A_378 = arith.mulf %get3A_375, %mul3A_377 : vector<16xf32>
        %swap3A_379 = arith.index_cast %add3A_311 : i32 to index
        %swap3A_380 = arith.constant 80 : index
        %swap3A_381 = tpu.vector_load %arg7[%swap3A_379, %swap3A_380] {strides = array<i32>} : memref<256x128xf32, #tpu.memory_space<vmem>>, vector<1x16xf32>,
        %swap3A_382 = vector.shape_cast %swap3A_381 : vector<1x16xf32> to vector<16xf32>
        %swap3A_383 = vector.shape_cast %mul3A_378 : vector<16xf32> to vector<1x16xf32>
        tpu.vector_store %arg7[%swap3A_379, %swap3A_380], %swap3A_383 {strides = array<i32>} : memref<256x128xf32, #tpu.memory_space<vmem>>, vector<1x16xf32>,
        %get3A_384 = arith.index_cast %add3A_311 : i32 to index
        %get3A_385 = arith.constant 96 : index
        %get3A_386 = tpu.vector_load %arg7[%get3A_384, %get3A_385] {strides = array<i32>} : memref<256x128xf32, #tpu.memory_space<vmem>>, vector<1x16xf32>,
        %get3A_387 = vector.shape_cast %get3A_386 : vector<1x16xf32> to vector<16xf32>
        %mul3A_388 = arith.constant 11.3137083 : f32
        %mul3A_389 = vector.broadcast %mul3A_388 : f32 to vector<16xf32>
        %mul3A_390 = arith.mulf %get3A_387, %mul3A_389 : vector<16xf32>
        %swap3A_391 = arith.index_cast %add3A_311 : i32 to index
        %swap3A_392 = arith.constant 96 : index
        %swap3A_393 = tpu.vector_load %arg7[%swap3A_391, %swap3A_392] {strides = array<i32>} : memref<256x128xf32, #tpu.memory_space<vmem>>, vector<1x16xf32>,
        %swap3A_394 = vector.shape_cast %swap3A_393 : vector<1x16xf32> to vector<16xf32>
        %swap3A_395 = vector.shape_cast %mul3A_390 : vector<16xf32> to vector<1x16xf32>
        tpu.vector_store %arg7[%swap3A_391, %swap3A_392], %swap3A_395 {strides = array<i32>} : memref<256x128xf32, #tpu.memory_space<vmem>>, vector<1x16xf32>,
        %get3A_396 = arith.index_cast %add3A_311 : i32 to index
        %get3A_397 = arith.constant 112 : index
        %get3A_398 = tpu.vector_load %arg7[%get3A_396, %get3A_397] {strides = array<i32>} : memref<256x128xf32, #tpu.memory_space<vmem>>, vector<1x16xf32>,
        %get3A_399 = vector.shape_cast %get3A_398 : vector<1x16xf32> to vector<16xf32>
        %mul3A_400 = arith.constant 11.3137083 : f32
        %mul3A_401 = vector.broadcast %mul3A_400 : f32 to vector<16xf32>
        %mul3A_402 = arith.mulf %get3A_399, %mul3A_401 : vector<16xf32>
        %swap3A_403 = arith.index_cast %add3A_311 : i32 to index
        %swap3A_404 = arith.constant 112 : index
        %swap3A_405 = tpu.vector_load %arg7[%swap3A_403, %swap3A_404] {strides = array<i32>} : memref<256x128xf32, #tpu.memory_space<vmem>>, vector<1x16xf32>,
        %swap3A_406 = vector.shape_cast %swap3A_405 : vector<1x16xf32> to vector<16xf32>
        %swap3A_407 = vector.shape_cast %mul3A_402 : vector<16xf32> to vector<1x16xf32>
        tpu.vector_store %arg7[%swap3A_403, %swap3A_404], %swap3A_407 {strides = array<i32>} : memref<256x128xf32, #tpu.memory_space<vmem>>, vector<1x16xf32>,
        %scan3A_408 = arith.constant 3 : i32
        %scan3A_409 = arith.addi %scan3A_105, %scan3A_408 : i32
        %mul3A_410 = arith.constant 1 : i32
        %mul3A_411 = arith.muli %scan3A_409, %mul3A_410 : i32
        %add3A_412 = arith.constant 0 : i32
        %add3A_413 = arith.addi %add3A_412, %mul3A_411 : i32
        %get3A_414 = arith.index_cast %add3A_413 : i32 to index
        %get3A_415 = arith.constant 0 : index
        %get3A_416 = tpu.vector_load %arg7[%get3A_414, %get3A_415] {strides = array<i32>} : memref<256x128xf32, #tpu.memory_space<vmem>>, vector<1x16xf32>,
        %get3A_417 = vector.shape_cast %get3A_416 : vector<1x16xf32> to vector<16xf32>
        %mul3A_418 = arith.constant 11.3137083 : f32
        %mul3A_419 = vector.broadcast %mul3A_418 : f32 to vector<16xf32>
        %mul3A_420 = arith.mulf %get3A_417, %mul3A_419 : vector<16xf32>
        %swap3A_421 = arith.index_cast %add3A_413 : i32 to index
        %swap3A_422 = arith.constant 0 : index
        %swap3A_423 = tpu.vector_load %arg7[%swap3A_421, %swap3A_422] {strides = array<i32>} : memref<256x128xf32, #tpu.memory_space<vmem>>, vector<1x16xf32>,
        %swap3A_424 = vector.shape_cast %swap3A_423 : vector<1x16xf32> to vector<16xf32>
        %swap3A_425 = vector.shape_cast %mul3A_420 : vector<16xf32> to vector<1x16xf32>
        tpu.vector_store %arg7[%swap3A_421, %swap3A_422], %swap3A_425 {strides = array<i32>} : memref<256x128xf32, #tpu.memory_space<vmem>>, vector<1x16xf32>,
        %get3A_426 = arith.index_cast %add3A_413 : i32 to index
        %get3A_427 = arith.constant 16 : index
        %get3A_428 = tpu.vector_load %arg7[%get3A_426, %get3A_427] {strides = array<i32>} : memref<256x128xf32, #tpu.memory_space<vmem>>, vector<1x16xf32>,
        %get3A_429 = vector.shape_cast %get3A_428 : vector<1x16xf32> to vector<16xf32>
        %mul3A_430 = arith.constant 11.3137083 : f32
        %mul3A_431 = vector.broadcast %mul3A_430 : f32 to vector<16xf32>
        %mul3A_432 = arith.mulf %get3A_429, %mul3A_431 : vector<16xf32>
        %swap3A_433 = arith.index_cast %add3A_413 : i32 to index
        %swap3A_434 = arith.constant 16 : index
        %swap3A_435 = tpu.vector_load %arg7[%swap3A_433, %swap3A_434] {strides = array<i32>} : memref<256x128xf32, #tpu.memory_space<vmem>>, vector<1x16xf32>,
        %swap3A_436 = vector.shape_cast %swap3A_435 : vector<1x16xf32> to vector<16xf32>
        %swap3A_437 = vector.shape_cast %mul3A_432 : vector<16xf32> to vector<1x16xf32>
        tpu.vector_store %arg7[%swap3A_433, %swap3A_434], %swap3A_437 {strides = array<i32>} : memref<256x128xf32, #tpu.memory_space<vmem>>, vector<1x16xf32>,
        %get3A_438 = arith.index_cast %add3A_413 : i32 to index
        %get3A_439 = arith.constant 32 : index
        %get3A_440 = tpu.vector_load %arg7[%get3A_438, %get3A_439] {strides = array<i32>} : memref<256x128xf32, #tpu.memory_space<vmem>>, vector<1x16xf32>,
        %get3A_441 = vector.shape_cast %get3A_440 : vector<1x16xf32> to vector<16xf32>
        %mul3A_442 = arith.constant 11.3137083 : f32
        %mul3A_443 = vector.broadcast %mul3A_442 : f32 to vector<16xf32>
        %mul3A_444 = arith.mulf %get3A_441, %mul3A_443 : vector<16xf32>
        %swap3A_445 = arith.index_cast %add3A_413 : i32 to index
        %swap3A_446 = arith.constant 32 : index
        %swap3A_447 = tpu.vector_load %arg7[%swap3A_445, %swap3A_446] {strides = array<i32>} : memref<256x128xf32, #tpu.memory_space<vmem>>, vector<1x16xf32>,
        %swap3A_448 = vector.shape_cast %swap3A_447 : vector<1x16xf32> to vector<16xf32>
        %swap3A_449 = vector.shape_cast %mul3A_444 : vector<16xf32> to vector<1x16xf32>
        tpu.vector_store %arg7[%swap3A_445, %swap3A_446], %swap3A_449 {strides = array<i32>} : memref<256x128xf32, #tpu.memory_space<vmem>>, vector<1x16xf32>,
        %get3A_450 = arith.index_cast %add3A_413 : i32 to index
        %get3A_451 = arith.constant 48 : index
        %get3A_452 = tpu.vector_load %arg7[%get3A_450, %get3A_451] {strides = array<i32>} : memref<256x128xf32, #tpu.memory_space<vmem>>, vector<1x16xf32>,
        %get3A_453 = vector.shape_cast %get3A_452 : vector<1x16xf32> to vector<16xf32>
        %mul3A_454 = arith.constant 11.3137083 : f32
        %mul3A_455 = vector.broadcast %mul3A_454 : f32 to vector<16xf32>
        %mul3A_456 = arith.mulf %get3A_453, %mul3A_455 : vector<16xf32>
        %swap3A_457 = arith.index_cast %add3A_413 : i32 to index
        %swap3A_458 = arith.constant 48 : index
        %swap3A_459 = tpu.vector_load %arg7[%swap3A_457, %swap3A_458] {strides = array<i32>} : memref<256x128xf32, #tpu.memory_space<vmem>>, vector<1x16xf32>,
        %swap3A_460 = vector.shape_cast %swap3A_459 : vector<1x16xf32> to vector<16xf32>
        %swap3A_461 = vector.shape_cast %mul3A_456 : vector<16xf32> to vector<1x16xf32>
        tpu.vector_store %arg7[%swap3A_457, %swap3A_458], %swap3A_461 {strides = array<i32>} : memref<256x128xf32, #tpu.memory_space<vmem>>, vector<1x16xf32>,
        %get3A_462 = arith.index_cast %add3A_413 : i32 to index
        %get3A_463 = arith.constant 64 : index
        %get3A_464 = tpu.vector_load %arg7[%get3A_462, %get3A_463] {strides = array<i32>} : memref<256x128xf32, #tpu.memory_space<vmem>>, vector<1x16xf32>,
        %get3A_465 = vector.shape_cast %get3A_464 : vector<1x16xf32> to vector<16xf32>
        %mul3A_466 = arith.constant 11.3137083 : f32
        %mul3A_467 = vector.broadcast %mul3A_466 : f32 to vector<16xf32>
        %mul3A_468 = arith.mulf %get3A_465, %mul3A_467 : vector<16xf32>
        %swap3A_469 = arith.index_cast %add3A_413 : i32 to index
        %swap3A_470 = arith.constant 64 : index
        %swap3A_471 = tpu.vector_load %arg7[%swap3A_469, %swap3A_470] {strides = array<i32>} : memref<256x128xf32, #tpu.memory_space<vmem>>, vector<1x16xf32>,
        %swap3A_472 = vector.shape_cast %swap3A_471 : vector<1x16xf32> to vector<16xf32>
        %swap3A_473 = vector.shape_cast %mul3A_468 : vector<16xf32> to vector<1x16xf32>
        tpu.vector_store %arg7[%swap3A_469, %swap3A_470], %swap3A_473 {strides = array<i32>} : memref<256x128xf32, #tpu.memory_space<vmem>>, vector<1x16xf32>,
        %get3A_474 = arith.index_cast %add3A_413 : i32 to index
        %get3A_475 = arith.constant 80 : index
        %get3A_476 = tpu.vector_load %arg7[%get3A_474, %get3A_475] {strides = array<i32>} : memref<256x128xf32, #tpu.memory_space<vmem>>, vector<1x16xf32>,
        %get3A_477 = vector.shape_cast %get3A_476 : vector<1x16xf32> to vector<16xf32>
        %mul3A_478 = arith.constant 11.3137083 : f32
        %mul3A_479 = vector.broadcast %mul3A_478 : f32 to vector<16xf32>
        %mul3A_480 = arith.mulf %get3A_477, %mul3A_479 : vector<16xf32>
        %swap3A_481 = arith.index_cast %add3A_413 : i32 to index
        %swap3A_482 = arith.constant 80 : index
        %swap3A_483 = tpu.vector_load %arg7[%swap3A_481, %swap3A_482] {strides = array<i32>} : memref<256x128xf32, #tpu.memory_space<vmem>>, vector<1x16xf32>,
        %swap3A_484 = vector.shape_cast %swap3A_483 : vector<1x16xf32> to vector<16xf32>
        %swap3A_485 = vector.shape_cast %mul3A_480 : vector<16xf32> to vector<1x16xf32>
        tpu.vector_store %arg7[%swap3A_481, %swap3A_482], %swap3A_485 {strides = array<i32>} : memref<256x128xf32, #tpu.memory_space<vmem>>, vector<1x16xf32>,
        %get3A_486 = arith.index_cast %add3A_413 : i32 to index
        %get3A_487 = arith.constant 96 : index
        %get3A_488 = tpu.vector_load %arg7[%get3A_486, %get3A_487] {strides = array<i32>} : memref<256x128xf32, #tpu.memory_space<vmem>>, vector<1x16xf32>,
        %get3A_489 = vector.shape_cast %get3A_488 : vector<1x16xf32> to vector<16xf32>
        %mul3A_490 = arith.constant 11.3137083 : f32
        %mul3A_491 = vector.broadcast %mul3A_490 : f32 to vector<16xf32>
        %mul3A_492 = arith.mulf %get3A_489, %mul3A_491 : vector<16xf32>
        %swap3A_493 = arith.index_cast %add3A_413 : i32 to index
        %swap3A_494 = arith.constant 96 : index
        %swap3A_495 = tpu.vector_load %arg7[%swap3A_493, %swap3A_494] {strides = array<i32>} : memref<256x128xf32, #tpu.memory_space<vmem>>, vector<1x16xf32>,
        %swap3A_496 = vector.shape_cast %swap3A_495 : vector<1x16xf32> to vector<16xf32>
        %swap3A_497 = vector.shape_cast %mul3A_492 : vector<16xf32> to vector<1x16xf32>
        tpu.vector_store %arg7[%swap3A_493, %swap3A_494], %swap3A_497 {strides = array<i32>} : memref<256x128xf32, #tpu.memory_space<vmem>>, vector<1x16xf32>,
        %get3A_498 = arith.index_cast %add3A_413 : i32 to index
        %get3A_499 = arith.constant 112 : index
        %get3A_500 = tpu.vector_load %arg7[%get3A_498, %get3A_499] {strides = array<i32>} : memref<256x128xf32, #tpu.memory_space<vmem>>, vector<1x16xf32>,
        %get3A_501 = vector.shape_cast %get3A_500 : vector<1x16xf32> to vector<16xf32>
        %mul3A_502 = arith.constant 11.3137083 : f32
        %mul3A_503 = vector.broadcast %mul3A_502 : f32 to vector<16xf32>
        %mul3A_504 = arith.mulf %get3A_501, %mul3A_503 : vector<16xf32>
        %swap3A_505 = arith.index_cast %add3A_413 : i32 to index
        %swap3A_506 = arith.constant 112 : index
        %swap3A_507 = tpu.vector_load %arg7[%swap3A_505, %swap3A_506] {strides = array<i32>} : memref<256x128xf32, #tpu.memory_space<vmem>>, vector<1x16xf32>,
        %swap3A_508 = vector.shape_cast %swap3A_507 : vector<1x16xf32> to vector<16xf32>
        %swap3A_509 = vector.shape_cast %mul3A_504 : vector<16xf32> to vector<1x16xf32>
        tpu.vector_store %arg7[%swap3A_505, %swap3A_506], %swap3A_509 {strides = array<i32>} : memref<256x128xf32, #tpu.memory_space<vmem>>, vector<1x16xf32>,
      }
      %scan3A_96 = arith.constant 256 : i32
      %dma_start3A_97 = arith.constant 0 : i32
      %dma_start3A_98 = arith.constant 0 : i32
      %dma_start3A_99 = tpu.memref_slice %arg4[%add3A, %add3A_75, %dma_start3A_97, %dma_start3A_98] : memref<32x100x256x128xf32, #tpu.memory_space<hbm>> -> memref<1x1x256x128xf32, #tpu.memory_space<hbm>>
      %dma_start3A_100 = tpu.memref_squeeze %dma_start3A_99 : memref<1x1x256x128xf32, #tpu.memory_space<hbm>> -> memref<256x128xf32, #tpu.memory_space<hbm>>
      %dma_start3A_101 = arith.constant 0 : i32
      %dma_start3A_102 = arith.constant 0 : i32
      %dma_start3A_103 = tpu.memref_slice %arg4[%add3A, %add3A_75, %dma_start3A_101, %dma_start3A_102] : memref<32x100x256x128xf32, #tpu.memory_space<hbm>> -> memref<1x1x256x128xf32, #tpu.memory_space<hbm>>
      %dma_start3A_104 = tpu.memref_squeeze %dma_start3A_103 : memref<1x1x256x128xf32, #tpu.memory_space<hbm>> -> memref<256x128xf32, #tpu.memory_space<hbm>>
      tpu.enqueue_dma source(%arg7 : memref<256x128xf32, #tpu.memory_space<vmem>>) target(%dma_start3A_104 : memref<256x128xf32, #tpu.memory_space<hbm>>) target_semaphore(%arg11 : memref<!tpu.dma_semaphore, #tpu.memory_space<semaphore_mem>>)
    }
    %scan3A_23 = arith.constant 50 : i32
    %dma_wait3A = arith.constant 0 : i32
    %dma_wait3A_24 = arith.constant 0 : i32
    %dma_wait3A_25 = arith.constant 0 : i32
    %dma_wait3A_26 = tpu.memref_slice %arg4[%add3A, %dma_wait3A, %dma_wait3A_24, %dma_wait3A_25] : memref<32x100x256x128xf32, #tpu.memory_space<hbm>> -> memref<1x1x256x128xf32, #tpu.memory_space<hbm>>
    %dma_wait3A_27 = tpu.memref_squeeze %dma_wait3A_26 : memref<1x1x256x128xf32, #tpu.memory_space<hbm>> -> memref<256x128xf32, #tpu.memory_space<hbm>>
    %dma_wait3A_28 = arith.constant 0 : i32
    %dma_wait3A_29 = arith.constant 0 : i32
    %dma_wait3A_30 = tpu.memref_slice %arg4[%add3A, %dma_wait3A, %dma_wait3A_28, %dma_wait3A_29] : memref<32x100x256x128xf32, #tpu.memory_space<hbm>> -> memref<1x1x256x128xf32, #tpu.memory_space<hbm>>
    %dma_wait3A_31 = tpu.memref_squeeze %dma_wait3A_30 : memref<1x1x256x128xf32, #tpu.memory_space<hbm>> -> memref<256x128xf32, #tpu.memory_space<hbm>>
    tpu.wait_dma2 semaphore(%arg10 : memref<!tpu.dma_semaphore, #tpu.memory_space<semaphore_mem>>) src(%arg6 : memref<256x128xf32, #tpu.memory_space<vmem>>) dst(%dma_wait3A_31 : memref<256x128xf32, #tpu.memory_space<hbm>>)
    %dma_wait3A_32 = arith.constant 0 : i32
    %dma_wait3A_33 = arith.constant 0 : i32
    %dma_wait3A_34 = arith.constant 0 : i32
    %dma_wait3A_35 = tpu.memref_slice %arg4[%add3A, %dma_wait3A_32, %dma_wait3A_33, %dma_wait3A_34] : memref<32x100x256x128xf32, #tpu.memory_space<hbm>> -> memref<1x1x256x128xf32, #tpu.memory_space<hbm>>
    %dma_wait3A_36 = tpu.memref_squeeze %dma_wait3A_35 : memref<1x1x256x128xf32, #tpu.memory_space<hbm>> -> memref<256x128xf32, #tpu.memory_space<hbm>>
    %dma_wait3A_37 = arith.constant 0 : i32
    %dma_wait3A_38 = arith.constant 0 : i32
    %dma_wait3A_39 = tpu.memref_slice %arg4[%add3A, %dma_wait3A_32, %dma_wait3A_37, %dma_wait3A_38] : memref<32x100x256x128xf32, #tpu.memory_space<hbm>> -> memref<1x1x256x128xf32, #tpu.memory_space<hbm>>
    %dma_wait3A_40 = tpu.memref_squeeze %dma_wait3A_39 : memref<1x1x256x128xf32, #tpu.memory_space<hbm>> -> memref<256x128xf32, #tpu.memory_space<hbm>>
    tpu.wait_dma2 semaphore(%arg11 : memref<!tpu.dma_semaphore, #tpu.memory_space<semaphore_mem>>) src(%arg7 : memref<256x128xf32, #tpu.memory_space<vmem>>) dst(%dma_wait3A_40 : memref<256x128xf32, #tpu.memory_space<hbm>>)
    return
  }
}

</mosaic_0001>

<sc_bundles>
// kernel: kernel.3.cloned.1.call-start
scs
__scs_entry_jumppad:
0x0: {  	(pc) =	sbr.rel $0x88, $3  }
0x1: {  	(tag) =	ssettag $0x0;
	lr =	simm.s32 $0x1  }
0x2: {  	[smem:$0x3F9F] =	sst lr;
	_ =	strace $0xD0000000  }
0x3: {  	_ = 	snop  }
0x4: {  	_ = 	snop  }
0x5: {  	_ = 	snop  }
0x6: {  	_ = 	snop  }
0x7: {  	_ = 	snop  }
__scs_overlays_trampoline_lowered:
0x8: {  	[smem:$0x3FAE] =	sst s0  }
0x9: {  	[smem:$0x3FAF] =	sst s1  }
0xa: {  	[smem:$0x3FB0] =	sst s2  }
0xb: {  	[smem:$0x3FB1] =	sst s3  }
0xc: {  	[smem:$0x3FB2] =	sst s4  }
0xd: {  	[smem:$0x3FB3] =	sst s5  }
0xe: {  	[smem:$0x3FB4] =	sst s6  }
0xf: {  	[smem:$0x3FB5] =	sst s7  }
0x10: {  	[smem:$0x3FB6] =	sst s8  }
0x11: {  	[smem:$0x3FB7] =	sst s9;
	s0 =	simm.s32 @!p0 $0x0  }
0x12: {  	s1 =	sld [smem:$0x3F9D];
	s0 =	simm.s32 @p0 $0x1  }
0x13: {  	[smem:$0x3FB8] =	sst s0;
	s0 =	simm.s32 @!p1 $0x0  }
0x14: {  	s2 =	sld [smem:$0x3F9C];
	s0 =	simm.s32 @p1 $0x1  }
0x15: {  	[smem:$0x3FB9] =	sst s0;
	s0 =	simm.s32 @!p2 $0x0  }
0x16: {  	s3 =	sld [smem:$0x3FDB];
	s0 =	simm.s32 @p2 $0x1  }
0x17: {  	s4 =	simm.s32 $0x1BF5;
	[smem:$0x3FBB] =	sst s0  }
0x18: {  	s0 =	sld [smem:$0x3F9E];
	_ =	swait.ge [sflag:s4], $0x0  }
0x19: {  	s7 =	sld [smem:$0x3F9F]  }
0x1a: {  	s8 =	sadd.s32 $0xFFFFE003, lr  }
0x1b: {  	s9 =	sadd.s32 $0xFFFFFEF7, lr;
	s5 =	simm.s32 $0xFFFFFFFF;
	p2 =	slt.u32 s8, $0xFFFFF086  }
0x1c: {  	p1 =	slt.u32 s9, $0xF7A;
	s5 =	simm.s32 @!p2 $0x0  }
0x1d: {  	s5 =	simm.s32 @p1 $0x1;
	p0 =	seq.s32 s7, s2  }
0x1e: {  	s7 =	smul.u32 @!p0 $0xF7A, s2;
	p2 =	seq.s32 @!p0 s5, $0x0  }
0x1f: {  	s9 =	smul.u32 $0xF7A, s1;
	s8 =	simm.s32 @!p0 $0x1BF5;
	p2 =	por !p2, p0  }
0x20: {  	[sflag:s8] =	ssyncset.s32 @!p0 $0xFFFFF086;
	s6 =	sadd.s32 @!p0 s3, s7;
	s7 =	simm.s32 @!p0 $0x108  }
0x21: {  	s3 =	sadd.s32 s3, s9;
	s6 =	sadd.s32 @!p0 $0x88, s6;
	s7 =	simm.s32 @p2 $0x1082  }
0x22: {  	[simem:s7], [sflag:s8] =	dma.local @!p0 [hbm:s6], $0xF7A  }
0x23: {  	s9 =	sor.u32 $0xD0000000, s2;
	s6 =	simm.s32 $0x108;
	_ =	swait.ge @!p0 [sflag:s8], $0x0  }
0x24: {  	s3 =	sadd.s32 $0x88, s3;
	s6 =	simm.s32 @!p1 $0x1082;
	[sflag:s4] =	ssyncset.s32 $0xFFFFF086  }
0x25: {  	[simem:s6], [sflag:s4] =	dma.local [hbm:s3], $0xF7A  }
0x26: {  	[smem:$0x3F9F] =	sst s1;
	(tag) =	ssettag s2;
	_ =	strace s9  }
0x27: {  	s1 =	sld [smem:$0x3FAF]  }
0x28: {  	s2 =	sld [smem:$0x3FB0]  }
0x29: {  	s4 =	sld [smem:$0x3FB2]  }
0x2a: {  	p0 =	seq.s32 s5, $0x0;
	s5 =	sld [smem:$0x3FB3]  }
0x2b: {  	s6 =	sld [smem:$0x3FB4]  }
0x2c: {  	s7 =	sld [smem:$0x3FB5]  }
0x2d: {  	s3 =	simm.s32 $0x108;
	s8 =	sld [smem:$0x3FB6]  }
0x2e: {  	s3 =	simm.s32 @!p0 $0x1082;
	s9 =	sld [smem:$0x3FB7]  }
0x2f: {  	lr =	sadd.s32 s0, s3;
	s0 =	sld [smem:$0x3FAE]  }
0x30: {  	s3 =	sld [smem:$0x3FB1]  }
0x31: {  	[smem:$0x3FBA] =	sst s10  }
0x32: {  	s10 =	sld [smem:$0x3FB8];
	_ =	sdelay $0x3  }
0x33: {  	p0 =	seq.s32 s10, $0x1;
	s10 =	sld [smem:$0x3FBA];
	_ =	sdelay $0x3  }
0x34: {  	[smem:$0x3FBA] =	sst s10  }
0x35: {  	s10 =	sld [smem:$0x3FB9];
	_ =	sdelay $0x3  }
0x36: {  	p1 =	seq.s32 s10, $0x1;
	s10 =	sld [smem:$0x3FBA];
	_ =	sdelay $0x3  }
0x37: {  	[smem:$0x3FBA] =	sst s10  }
0x38: {  	s10 =	sld [smem:$0x3FBB]  }
0x39: {  	_ = 	snop;
	(pc) =	sbr.ind lr, $3  }
0x3a: {  	_ = 	snop  }
0x3b: {  	_ = 	snop  }
0x3c: {  	p2 =	seq.s32 s10, $0x1;
	s10 =	sld [smem:$0x3FBA]  }
0x3d: {  	_ =	shalt  }
0x3e: {  	_ =	shalt  }
0x3f: {  	_ =	shalt  }
0x40: {  	_ =	shalt  }
0x41: {  	_ =	shalt  }
0x42: {  	_ =	shalt  }
0x43: {  	_ =	shalt  }
0x44: {  	_ =	shalt  }
0x45: {  	_ =	shalt  }
0x46: {  	_ =	shalt  }
0x47: {  	_ =	shalt  }
0x48: {  	_ =	shalt  }
0x49: {  	_ =	shalt  }
0x4a: {  	_ =	shalt  }
0x4b: {  	_ =	shalt  }
0x4c: {  	_ =	shalt  }
0x4d: {  	_ =	shalt  }
0x4e: {  	_ =	shalt  }
0x4f: {  	_ =	shalt  }
0x50: {  	_ =	shalt  }
0x51: {  	_ =	shalt  }
0x52: {  	_ =	shalt  }
0x53: {  	_ =	shalt  }
0x54: {  	_ =	shalt  }
0x55: {  	_ =	shalt  }
0x56: {  	_ =	shalt  }
0x57: {  	_ =	shalt  }
0x58: {  	_ =	shalt  }
0x59: {  	_ =	shalt  }
0x5a: {  	_ =	shalt  }
0x5b: {  	_ =	shalt  }
0x5c: {  	_ =	shalt  }
0x5d: {  	_ =	shalt  }
0x5e: {  	_ =	shalt  }
0x5f: {  	_ =	shalt  }
0x60: {  	_ =	shalt  }
0x61: {  	_ =	shalt  }
0x62: {  	_ =	shalt  }
0x63: {  	_ =	shalt  }
0x64: {  	_ =	shalt  }
0x65: {  	_ =	shalt  }
0x66: {  	_ =	shalt  }
0x67: {  	_ =	shalt  }
0x68: {  	_ =	shalt  }
0x69: {  	_ =	shalt  }
0x6a: {  	_ =	shalt  }
0x6b: {  	_ =	shalt  }
0x6c: {  	_ =	shalt  }
0x6d: {  	_ =	shalt  }
0x6e: {  	_ =	shalt  }
0x6f: {  	_ =	shalt  }
0x70: {  	_ =	shalt  }
0x71: {  	_ =	shalt  }
0x72: {  	_ =	shalt  }
0x73: {  	_ =	shalt  }
0x74: {  	_ =	shalt  }
0x75: {  	_ =	shalt  }
0x76: {  	_ =	shalt  }
0x77: {  	_ =	shalt  }
0x78: {  	_ =	shalt  }
0x79: {  	_ =	shalt  }
0x7a: {  	_ =	shalt  }
0x7b: {  	_ =	shalt  }
0x7c: {  	_ =	shalt  }
0x7d: {  	_ =	shalt  }
0x7e: {  	_ =	shalt  }
0x7f: {  	_ =	shalt  }
0x80: {  	_ =	shalt  }
0x81: {  	_ =	shalt  }
0x82: {  	_ =	shalt  }
0x83: {  	_ =	shalt  }
0x84: {  	_ =	shalt  }
0x85: {  	_ =	shalt  }
0x86: {  	_ =	shalt  }
0x87: {  	_ =	shalt  }
.Lfunc_end0:
.L_simem_size_0:
called_computation_lowered:
.L_overlay_start_0:
0x88: {  	s2 =	sld [smem:$0x3FD9]  }
0x89: {  	s3 =	sld [smem:$0x3FFE];
	_ =	sdelay $0x1  }
0x8a: {  	s1 =	srdreg.scid  }
0x8b: {  	s0 =	sand.u32 $0x1, s1  }
0x8c: {  	s17 =	sshll.u32 s0, $0xA;
	s2 =	sadd.s32 s3, s2  }
0x8d: {  	s2 =	sadd.s32 s2, s17  }
0x8e: {  	[smem:$0x3FC6] =	sst s2  }
0x8f: {  	_ = 	snop  }
0x90: {  	s2 =	sld [smem:$0x3FC8]  }
0x91: {  	s18 =	sld [smem:$0x3FD0];
	(tm) =	ssettm $0x1  }
0x92: {  	s4 =	sld [smem:$0x3FFB];
	_ =	sdelay $0x3  }
0x93: {  	_ =	strace s4  }
0x94: {  	s4 =	sld [smem:$0x3FFC];
	_ =	sdelay $0x3  }
0x95: {  	_ =	strace s4  }
0x96: {  	s4 =	sld [smem:$0x3FFD];
	_ =	sdelay $0x3  }
0x97: {  	_ =	strace s4  }
0x98: {  	_ =	strace $0x8FFFFFFF  }
0x99: {  	s19 =	sld [smem:$0x3FDB];
	_ =	sdelay $0x1  }
0x9a: {  	s5 =	simm.s32 $_scs_section_size  }
0x9b: {  	s6 =	simm.s32 $_size__tile_overlayer_lowered;
	s7 =	simm.s32 $_tile_overlayer_lowered  }
0x9c: {  	s22 =	simm.s32 $0x1BFF;
	s21 =	sshll.u32 s7, $0x1;
	s4 =	sadd.s32 s5, s19  }
0x9d: {  	s8 =	simm.s32 $0x0;
	s20 =	sshll.u32 s6, $0x1;
	s6 =	sadd.s32 s21, s4  }
0x9e: {  	[timem:s8], [sflag:s22] =	dma.local [hbm:s6], s20  }
0x9f: {  	_ =	swait.ge [sflag:s22], s20  }
0xa0: {  	s5 =	ssub.s32 $0x0, s20;
	[sflag:s22] =	ssyncset.done $0x0  }
0xa1: {  	[sflag:s22] =	ssyncadd.s32 s5;
	_ =	sdelay $0x1  }
0xa2: {  	s23 =	simm.s32 $0x1B8B  }
0xa3: {  	_ =	swait.ge [sflag:s23], $0x1  }
0xa4: {  	[sflag:s23] =	ssyncset.done $0x0  }
0xa5: {  	s25 =	simm.s32 $0x1B8E;
	s24 =	sld [smem:$0x3FFE];
	[sflag:s23] =	ssyncadd.s32 $0xFFFFFFFF  }
0xa6: {  	s26 =	simm.s32 $execute0_lowered;
	[smem:$0x3FD2] =	sst s25  }
0xa7: {  	s6 =	sshll.u32 s26, $0x1;
	_ =	strace $0x80000046;
	[dreg:$0x1] =	wrdreg $0xFFFFFFFF  }
0xa8: {  	s28 =	simm.s32 $_size_execute0_lowered;
	s4 =	sadd.s32 s4, s6;
	[dreg:$0x0] =	wrdreg $0x0  }
0xa9: {  	s6 =	sshll.u32 s28, $0x1;
	[dreg:$0x2] =	wrdreg s4  }
0xaa: {  	[dreg:$0x3] =	wrdreg s6  }
0xab: {  	[dreg:$0x4] =	wrdreg $0xC0  }
0xac: {  	_ =	task [dreg:s8], $0x5FFFF  }
0xad: {  	[dreg:$0x1] =	wrdreg $0xFFFFFFFF  }
0xae: {  	[dreg:$0x0] =	wrdreg $0x60  }
0xaf: {  	[dreg:$0x2] =	wrdreg s2  }
0xb0: {  	[dreg:$0x3] =	wrdreg s24  }
0xb1: {  	[dreg:$0x4] =	wrdreg s18  }
0xb2: {  	[dreg:$0x5] =	wrdreg $0x9  }
0xb3: {  	_ =	task.clear_ibuf [dreg:s8], $0x6FFFF;
	_ =	strace $0x90000046  }
0xb4: {  	s29 =	simm.s32 $0x9;
	_ =	strace $0x80000048  }
0xb5: {  	_ =	swait.ge [sflag:s29], $0x1  }
0xb6: {  	[sflag:s29] =	ssyncadd.s32 $0xFFFFFFFF  }
0xb7: {  	_ =	strace $0x90000048  }
0xb8: {  	_ =	sfence  }
0xb9: {  	s30 =	sld [smem:$0x0];
	_ =	sdelay $0x2  }
0xba: {  	s31 =	sshll.u32 s1, $0xD;
	s1 =	sshrl.u32 s1, $0x2  }
0xbb: {  	s3 =	sand.u32 $0x4000, s31;
	s1 =	sadd.s32 s1, s30  }
0xbc: {  	s0 =	sor.u32 s3, s0;
	s1 =	sshll.u32 s1, $0x11  }
0xbd: {  	s0 =	sor.u32 s1, s0  }
0xbe: {  	s0 =	sadd.s32 $0x8F2B, s0  }
0xbf: {  	[sflag:s0] =	ssyncadd.remote.s32 $0x1  }
0xc0: {  	_ =	sfence.sel $0xFFFF  }
0xc1: {  	[dreg:$0x0] =	wrdreg $0xFFFFFFFF;
	(pc) =	sbr.abs _section_cstart, $3  }
0xc2: {  	[dreg:$0x1] =	wrdreg $0xFFFFFFFF  }
0xc3: {  	_ =	task.clear_ibuf [dreg:s8], $0x2FFFF;
	_ =	strace $0x9FFFFFFF  }
0xc4: {  	(tm) =	ssettm $0x7FFFFFFF  }
0xc5: {  	_ =	shalt  }
tec
execute0_lowered:
.L_overlay_start_1:
0x0: {  	(tag) =	ssettag $0x1  }
0x1: {  	s1 =	rddreg [dreg:$0x0];
	s2 =	srdreg.scid  }
0x2: {  	s0 =	stileid.u32;
	s5 =	rddreg [dreg:$0x1]  }
0x3: {  	s3 =	rddreg [dreg:$0x2];
	s4 =	simm.s32 $0x0;
	s9 =	simm.s32 $0x80  }
0x4: {  	s10 =	simm.s32 $0x6400;
	s11 =	simm.s32 $0xA400;
	s12 =	simm.s32 $0xE400  }
0x5: {  	s13 =	simm.s32 $0x12400;
	s14 =	simm.s32 $0x1;
	s15 =	simm.s32 $0x2  }
0x6: {  	s16 =	simm.s32 $0x3;
	s6 =	sand.u32 $0x1, s2;
	s30 =	sshll.u32 s0, $0x1  }
0x7: {  	s17 =	simm.s32 $0x4;
	s18 =	simm.s32 $0x0;
	s7 =	sor.u32 s6, s30  }
0x8: {  	[smem:$0x7FF] =	sst s4;
	s6 =	ssub.s32 $0x2, s6;
	s8 =	smul.u32 $0xC80, s7  }
0x9: {  	s2 =	rddreg [dreg:$0x3];
	_ =	strace $0x80000047;
	s31 =	sshrl.u32 s6, $0x1  }
0xa: {  	s5 =	sadd.s32 s8, s5;
	s8 =	ssub.s32 s6, s31;
	s6 =	smul.u32 $0x320000, s7  }
0xb: {  	s5 =	sadd.s32 $0x400, s5;
	s7 =	smax.u32 s8, $0x1;
	s8 =	simm.s32 $0x5  }
.LBB2_1:
0xc: {  	[tilespmem:s4], [sflag:$0x5] =	stream.linear.gather [hbm4b:s5+s4], $0x6400, $0x38;
	[tilespmem:$0x16400] =	vst v63  }
0xd: {  	_ =	swait.ge [sflag:s8], $0x6400  }
0xe: {  	[sflag:s8] =	ssyncset.done $0x0  }
0xf: {  	[sflag:s8] =	ssyncadd.s32 $0xFFFF9C00  }
0x10: {  	[tilespmem:s10], [sflag:$0x1] =	stream.indirect.gather [hbm4b:s1+s9], $0x80, s4, s9, $0xb8;
	[tilespmem:$0x16400] =	vst v63  }
0x11: {  	s19 =	simm.s32 $0x0  }
0x12: {  	[tilespmem:s11], [sflag:$0x1] =	stream.indirect.gather [hbm4b:s1+s9], $0x80, s9, s9, $0xb8;
	[tilespmem:$0x16400] =	vst v63  }
.LBB2_2:
0x13: {  	p0 =	seq.s32 s19, $0x0  }
0x14: {  	s21 =	simm.s32 @!p0 $0x4  }
0x15: {  	s20 =	sshllo.u32 s19, $0x1;
	_ =	swait.ge @!p0 [sflag:s21], $0x8000  }
0x16: {  	s22 =	sshll.u32 s20, $0x8;
	[sflag:s21] =	ssyncset.done @!p0 $0x0  }
0x17: {  	s31 =	sand.u32 $0x3FFFFF00, s22;
	[sflag:s21] =	ssyncadd.s32 @!p0 $0xFFFF8000  }
0x18: {  	[tilespmem:s12], [sflag:$0x2] =	stream.indirect.gather [hbm4b:s1+s9], $0x80, s31, s9, $0xb8;
	[tilespmem:$0x16400] =	vst v63  }
0x19: {  	s21 =	sor.u32 $0x80, s31  }
0x1a: {  	[tilespmem:s13], [sflag:$0x2] =	stream.indirect.gather [hbm4b:s1+s9], $0x80, s21, s9, $0xb8;
	[tilespmem:$0x16400] =	vst v63  }
0x1b: {  	_ =	swait.ge [sflag:s14], $0x8000  }
0x1c: {  	[sflag:s14] =	ssyncset.done $0x0  }
0x1d: {  	s21 =	simm.s32 $0x6500;
	[sflag:s14] =	ssyncadd.s32 $0xFFFF8000  }
0x1e: {  	v0 =	vld [tilespmem:s21+$0xFFFFFF00]  }
0x1f: {  	v1 =	vld [tilespmem:s21+$0xFFFFFF10]  }
0x20: {  	v2 =	vld [tilespmem:s21+$0xFFFFFF20]  }
0x21: {  	v3 =	vld [tilespmem:s21+$0xFFFFFF30]  }
0x22: {  	v4 =	vld [tilespmem:s21+$0xFFFFFF40]  }
0x23: {  	v5 =	vld [tilespmem:s21+$0xFFFFFF50];
	v0 =	vmul.f32 $1.131370830e+01, v0  }
0x24: {  	v6 =	vld [tilespmem:s21+$0xFFFFFF60];
	v1 =	vmul.f32 $1.131370830e+01, v1  }
0x25: {  	[tilespmem:s21+$0xFFFFFF00] =	vst v0;
	v0 =	vmul.f32 $1.131370830e+01, v2;
	v2 =	vld [tilespmem:s21+$0xFFFFFF70]  }
0x26: {  	[tilespmem:s21+$0xFFFFFF10] =	vst v1;
	v1 =	vmul.f32 $1.131370830e+01, v3;
	v3 =	vld [tilespmem:s21+$0xFFFFFF80]  }
0x27: {  	[tilespmem:s21+$0xFFFFFF20] =	vst v0;
	v0 =	vmul.f32 $1.131370830e+01, v4;
	v4 =	vld [tilespmem:s21+$0xFFFFFF90]  }
0x28: {  	[tilespmem:s21+$0xFFFFFF30] =	vst v1;
	v1 =	vmul.f32 $1.131370830e+01, v5;
	v5 =	vld [tilespmem:s21+$0xFFFFFFA0]  }
0x29: {  	[tilespmem:s21+$0xFFFFFF40] =	vst v0;
	v0 =	vmul.f32 $1.131370830e+01, v6;
	v6 =	vld [tilespmem:s21+$0xFFFFFFB0]  }
0x2a: {  	[tilespmem:s21+$0xFFFFFF50] =	vst v1;
	v1 =	vmul.f32 $1.131370830e+01, v2;
	v2 =	vld [tilespmem:s21+$0xFFFFFFC0]  }
0x2b: {  	[tilespmem:s21+$0xFFFFFF60] =	vst v0;
	v0 =	vmul.f32 $1.131370830e+01, v3;
	v3 =	vld [tilespmem:s21+$0xFFFFFFD0]  }
0x2c: {  	[tilespmem:s21+$0xFFFFFF70] =	vst v1;
	v1 =	vmul.f32 $1.131370830e+01, v4;
	v4 =	vld [tilespmem:s21+$0xFFFFFFE0]  }
0x2d: {  	[tilespmem:s21+$0xFFFFFF80] =	vst v0;
	v0 =	vmul.f32 $1.131370830e+01, v5;
	v5 =	vld [tilespmem:s21+$0x0]  }
0x2e: {  	[tilespmem:s21+$0xFFFFFF90] =	vst v1;
	v1 =	vmul.f32 $1.131370830e+01, v6;
	v6 =	vld [tilespmem:s21+$0x10]  }
0x2f: {  	[tilespmem:s21+$0xFFFFFFA0] =	vst v0;
	v0 =	vmul.f32 $1.131370830e+01, v2;
	v2 =	vld [tilespmem:s21+$0x20]  }
0x30: {  	[tilespmem:s21+$0xFFFFFFB0] =	vst v1;
	v1 =	vmul.f32 $1.131370830e+01, v3;
	v3 =	vld [tilespmem:s21+$0x30]  }
0x31: {  	[tilespmem:s21+$0xFFFFFFC0] =	vst v0;
	v0 =	vmul.f32 $1.131370830e+01, v4;
	v4 =	vld [tilespmem:s21+$0x40]  }
0x32: {  	[tilespmem:s21+$0xFFFFFFD0] =	vst v1;
	v1 =	vmul.f32 $1.131370830e+01, v5;
	v5 =	vld [tilespmem:s21+$0x50]  }
0x33: {  	[tilespmem:s21+$0xFFFFFFE0] =	vst v0;
	v0 =	vmul.f32 $1.131370830e+01, v6;
	v6 =	vld [tilespmem:s21+$0x60]  }
0x34: {  	[tilespmem:s21+$0x0] =	vst v1;
	v1 =	vmul.f32 $1.131370830e+01, v2;
	v2 =	vld [tilespmem:s21+$0x70]  }
0x35: {  	[tilespmem:s21+$0x10] =	vst v0;
	v0 =	vmul.f32 $1.131370830e+01, v3;
	v3 =	vld [tilespmem:s21+$0x80]  }
0x36: {  	[tilespmem:s21+$0x20] =	vst v1;
	v1 =	vmul.f32 $1.131370830e+01, v4;
	v4 =	vld [tilespmem:s21+$0x90]  }
0x37: {  	[tilespmem:s21+$0x30] =	vst v0;
	v0 =	vmul.f32 $1.131370830e+01, v5;
	v5 =	vld [tilespmem:s21+$0xA0]  }
0x38: {  	[tilespmem:s21+$0x40] =	vst v1;
	v1 =	vmul.f32 $1.131370830e+01, v6;
	v6 =	vld [tilespmem:s21+$0xB0]  }
0x39: {  	[tilespmem:s21+$0x50] =	vst v0;
	v2 =	vmul.f32 $1.131370830e+01, v2;
	v0 =	vld [tilespmem:s21+$0xC0]  }
0x3a: {  	[tilespmem:s21+$0x60] =	vst v1;
	v3 =	vmul.f32 $1.131370830e+01, v3;
	v1 =	vld [tilespmem:s21+$0xD0]  }
0x3b: {  	[tilespmem:s21+$0x70] =	vst v2;
	v7 =	vmul.f32 $1.131370830e+01, v4;
	v2 =	vld [tilespmem:s21+$0xE0]  }
0x3c: {  	[tilespmem:s21+$0x80] =	vst v3;
	v3 =	vld [tilespmem:s21+$0xF0];
	v5 =	vmul.f32 $1.131370830e+01, v5  }
0x3d: {  	s23 =	simm.s32 $0x6700;
	s22 =	simm.s32 $0x0;
	v4 =	vld [tilespmem:s21+$0xFFFFFFF0];
	[tilespmem:s21+$0x90] =	vst v7;
	v6 =	vmul.f32 $1.131370830e+01, v6  }
.LBB2_3:
0x3e: {  	v7 =	vld [tilespmem:s23+$0xFFFFFF00];
	[tilespmem:s21+$0xA0] =	vst v5;
	v0 =	vmul.f32 $1.131370830e+01, v0  }
0x3f: {  	v5 =	vld [tilespmem:s23+$0xFFFFFF10];
	[tilespmem:s21+$0xB0] =	vst v6;
	v1 =	vmul.f32 $1.131370830e+01, v1  }
0x40: {  	v6 =	vld [tilespmem:s23+$0xFFFFFF20];
	[tilespmem:s21+$0xC0] =	vst v0;
	v0 =	vmul.f32 $1.131370830e+01, v2  }
0x41: {  	v2 =	vld [tilespmem:s23+$0xFFFFFF30];
	[tilespmem:s21+$0xD0] =	vst v1;
	v1 =	vmul.f32 $1.131370830e+01, v3  }
0x42: {  	v3 =	vld [tilespmem:s23+$0xFFFFFF40];
	v4 =	vmul.f32 $1.131370830e+01, v4;
	[tilespmem:s21+$0xE0] =	vst v0  }
0x43: {  	v0 =	vmul.f32 $1.131370830e+01, v7;
	v7 =	vld [tilespmem:s23+$0xFFFFFF50];
	[tilespmem:s21+$0xF0] =	vst v1  }
0x44: {  	v1 =	vmul.f32 $1.131370830e+01, v5;
	v5 =	vld [tilespmem:s23+$0xFFFFFF60];
	[tilespmem:s21+$0xFFFFFFF0] =	vst v4;
	s21 =	smov.u32 s23  }
0x45: {  	[tilespmem:s23+$0xFFFFFF00] =	vst v0;
	v0 =	vmul.f32 $1.131370830e+01, v6;
	v4 =	vld [tilespmem:s23+$0xFFFFFF70]  }
0x46: {  	[tilespmem:s23+$0xFFFFFF10] =	vst v1;
	v1 =	vmul.f32 $1.131370830e+01, v2;
	v2 =	vld [tilespmem:s23+$0xFFFFFF80]  }
0x47: {  	[tilespmem:s23+$0xFFFFFF20] =	vst v0;
	v0 =	vmul.f32 $1.131370830e+01, v3;
	v3 =	vld [tilespmem:s23+$0xFFFFFF90]  }
0x48: {  	[tilespmem:s23+$0xFFFFFF30] =	vst v1;
	v1 =	vmul.f32 $1.131370830e+01, v7;
	v6 =	vld [tilespmem:s23+$0xFFFFFFA0]  }
0x49: {  	[tilespmem:s23+$0xFFFFFF40] =	vst v0;
	v0 =	vmul.f32 $1.131370830e+01, v5;
	v5 =	vld [tilespmem:s23+$0xFFFFFFB0]  }
0x4a: {  	[tilespmem:s23+$0xFFFFFF50] =	vst v1;
	v1 =	vmul.f32 $1.131370830e+01, v4;
	v4 =	vld [tilespmem:s23+$0xFFFFFFC0]  }
0x4b: {  	[tilespmem:s23+$0xFFFFFF60] =	vst v0;
	v0 =	vmul.f32 $1.131370830e+01, v2;
	v2 =	vld [tilespmem:s23+$0xFFFFFFD0]  }
0x4c: {  	[tilespmem:s23+$0xFFFFFF70] =	vst v1;
	v1 =	vmul.f32 $1.131370830e+01, v3;
	v3 =	vld [tilespmem:s23+$0xFFFFFFE0]  }
0x4d: {  	[tilespmem:s23+$0xFFFFFF80] =	vst v0;
	v0 =	vmul.f32 $1.131370830e+01, v6;
	v6 =	vld [tilespmem:s23+$0x0]  }
0x4e: {  	[tilespmem:s23+$0xFFFFFF90] =	vst v1;
	v1 =	vmul.f32 $1.131370830e+01, v5;
	v5 =	vld [tilespmem:s23+$0x10]  }
0x4f: {  	[tilespmem:s23+$0xFFFFFFA0] =	vst v0;
	v0 =	vmul.f32 $1.131370830e+01, v4;
	v4 =	vld [tilespmem:s23+$0x20]  }
0x50: {  	[tilespmem:s23+$0xFFFFFFB0] =	vst v1;
	v1 =	vmul.f32 $1.131370830e+01, v2;
	v2 =	vld [tilespmem:s23+$0x30]  }
0x51: {  	[tilespmem:s23+$0xFFFFFFC0] =	vst v0;
	v0 =	vmul.f32 $1.131370830e+01, v3;
	v3 =	vld [tilespmem:s23+$0x40]  }
0x52: {  	[tilespmem:s23+$0xFFFFFFD0] =	vst v1;
	v1 =	vmul.f32 $1.131370830e+01, v6;
	v6 =	vld [tilespmem:s23+$0x50]  }
0x53: {  	[tilespmem:s23+$0xFFFFFFE0] =	vst v0;
	v0 =	vmul.f32 $1.131370830e+01, v5;
	v5 =	vld [tilespmem:s23+$0x60]  }
0x54: {  	[tilespmem:s23+$0x0] =	vst v1;
	v1 =	vmul.f32 $1.131370830e+01, v4;
	v4 =	vld [tilespmem:s23+$0x70]  }
0x55: {  	[tilespmem:s23+$0x10] =	vst v0;
	v0 =	vmul.f32 $1.131370830e+01, v2;
	v2 =	vld [tilespmem:s23+$0x80]  }
0x56: {  	[tilespmem:s23+$0x20] =	vst v1;
	v1 =	vmul.f32 $1.131370830e+01, v3;
	v3 =	vld [tilespmem:s23+$0x90]  }
0x57: {  	s22 =	sadd.s32 $0x4, s22;
	[tilespmem:s23+$0x30] =	vst v0;
	v0 =	vmul.f32 $1.131370830e+01, v6;
	v6 =	vld [tilespmem:s23+$0xA0]  }
0x58: {  	p0 =	slt.u32 s22, $0xFC;
	[tilespmem:s23+$0x40] =	vst v1;
	v1 =	vmul.f32 $1.131370830e+01, v5;
	v7 =	vld [tilespmem:s23+$0xB0]  }
.Ltmp0:
0x59: {  	[tilespmem:s23+$0x50] =	vst v0;
	v4 =	vmul.f32 $1.131370830e+01, v4;
	v0 =	vld [tilespmem:s23+$0xC0];
	(pc) =	sbr.rel @p0 .LBB2_3-.Ltmp0, $4  }
0x5a: {  	[tilespmem:s23+$0x60] =	vst v1;
	v5 =	vmul.f32 $1.131370830e+01, v2;
	v1 =	vld [tilespmem:s23+$0xD0]  }
0x5b: {  	[tilespmem:s23+$0x70] =	vst v4;
	v8 =	vmul.f32 $1.131370830e+01, v3;
	v2 =	vld [tilespmem:s23+$0xE0]  }
0x5c: {  	[tilespmem:s23+$0x80] =	vst v5;
	v5 =	vmul.f32 $1.131370830e+01, v6;
	v3 =	vld [tilespmem:s23+$0xF0]  }
0x5d: {  	s23 =	sadd.s32 $0x200, s23;
	v4 =	vld [tilespmem:s21+$0xFFFFFFF0];
	[tilespmem:s21+$0x90] =	vst v8;
	v6 =	vmul.f32 $1.131370830e+01, v7  }
0x5e: {  	[tilespmem:s21+$0xA0] =	vst v5;
	v0 =	vmul.f32 $1.131370830e+01, v0  }
0x5f: {  	[tilespmem:s21+$0xB0] =	vst v6;
	v1 =	vmul.f32 $1.131370830e+01, v1  }
0x60: {  	[tilespmem:s21+$0xC0] =	vst v0;
	v0 =	vmul.f32 $1.131370830e+01, v2  }
0x61: {  	s22 =	sshll.u32 s19, $0x10;
	[tilespmem:s21+$0xD0] =	vst v1;
	v1 =	vmul.f32 $1.131370830e+01, v3  }
0x62: {  	s22 =	sadd.s32 s6, s22;
	v2 =	vmul.f32 $1.131370830e+01, v4;
	[tilespmem:s21+$0xE0] =	vst v0  }
0x63: {  	p0 =	seq.s32 s19, $0x31;
	s22 =	sshrl.u32 s22, $0x3;
	[tilespmem:s21+$0xF0] =	vst v1  }
0x64: {  	s31 =	sadd.s32 s3, s22;
	[tilespmem:s21+$0xFFFFFFF0] =	vst v2;
	s21 =	simm.s32 @!p0 $0x3  }
0x65: {  	[hbm4b:s31+s4] =	stream.linear.scatter [tilespmem:s10], [sflag:$0x3], $0x8000, $0x38;
	[tilespmem:$0x16400] =	vst v63  }
0x66: {  	_ =	swait.ge @!p0 [sflag:s21], $0x8000  }
0x67: {  	s22 =	sshll.u32 @!p0 s19, $0x9;
	[sflag:s21] =	ssyncset.done @!p0 $0x0  }
0x68: {  	[sflag:s21] =	ssyncadd.s32 @!p0 $0xFFFF8000;
	s21 =	sand.u32 @!p0 $0x3FFFFE00, s22  }
0x69: {  	s23 =	simm.s32 @!p0 $0x80;
	s24 =	simm.s32 @!p0 $0x6400;
	s22 =	sadd.s32 @!p0 $0x200, s21  }
0x6a: {  	[tilespmem:s24], [sflag:$0x1] =	stream.indirect.gather @!p0 [hbm4b:s1+s23], $0x80, s22, s23, $0xb8;
	[tilespmem:$0x16400] =	vst v63  }
0x6b: {  	s21 =	sadd.s32 @!p0 $0x280, s21;
	s22 =	simm.s32 @!p0 $0xA400  }
0x6c: {  	[tilespmem:s22], [sflag:$0x1] =	stream.indirect.gather @!p0 [hbm4b:s1+s23], $0x80, s21, s23, $0xb8;
	[tilespmem:$0x16400] =	vst v63  }
0x6d: {  	_ =	swait.ge [sflag:s15], $0x8000  }
0x6e: {  	[sflag:s15] =	ssyncset.done $0x0  }
0x6f: {  	s21 =	simm.s32 $0xE500;
	[sflag:s15] =	ssyncadd.s32 $0xFFFF8000  }
0x70: {  	v0 =	vld [tilespmem:s21+$0xFFFFFF00]  }
0x71: {  	v1 =	vld [tilespmem:s21+$0xFFFFFF10]  }
0x72: {  	v2 =	vld [tilespmem:s21+$0xFFFFFF20]  }
0x73: {  	v3 =	vld [tilespmem:s21+$0xFFFFFF30]  }
0x74: {  	v4 =	vld [tilespmem:s21+$0xFFFFFF40]  }
0x75: {  	v5 =	vld [tilespmem:s21+$0xFFFFFF50];
	v0 =	vmul.f32 $1.131370830e+01, v0  }
0x76: {  	v6 =	vld [tilespmem:s21+$0xFFFFFF60];
	v1 =	vmul.f32 $1.131370830e+01, v1  }
0x77: {  	[tilespmem:s21+$0xFFFFFF00] =	vst v0;
	v0 =	vmul.f32 $1.131370830e+01, v2;
	v2 =	vld [tilespmem:s21+$0xFFFFFF70]  }
0x78: {  	[tilespmem:s21+$0xFFFFFF10] =	vst v1;
	v1 =	vmul.f32 $1.131370830e+01, v3;
	v3 =	vld [tilespmem:s21+$0xFFFFFF80]  }
0x79: {  	[tilespmem:s21+$0xFFFFFF20] =	vst v0;
	v0 =	vmul.f32 $1.131370830e+01, v4;
	v4 =	vld [tilespmem:s21+$0xFFFFFF90]  }
0x7a: {  	[tilespmem:s21+$0xFFFFFF30] =	vst v1;
	v1 =	vmul.f32 $1.131370830e+01, v5;
	v5 =	vld [tilespmem:s21+$0xFFFFFFA0]  }
0x7b: {  	[tilespmem:s21+$0xFFFFFF40] =	vst v0;
	v0 =	vmul.f32 $1.131370830e+01, v6;
	v6 =	vld [tilespmem:s21+$0xFFFFFFB0]  }
0x7c: {  	[tilespmem:s21+$0xFFFFFF50] =	vst v1;
	v1 =	vmul.f32 $1.131370830e+01, v2;
	v2 =	vld [tilespmem:s21+$0xFFFFFFC0]  }
0x7d: {  	[tilespmem:s21+$0xFFFFFF60] =	vst v0;
	v0 =	vmul.f32 $1.131370830e+01, v3;
	v3 =	vld [tilespmem:s21+$0xFFFFFFD0]  }
0x7e: {  	[tilespmem:s21+$0xFFFFFF70] =	vst v1;
	v1 =	vmul.f32 $1.131370830e+01, v4;
	v4 =	vld [tilespmem:s21+$0xFFFFFFE0]  }
0x7f: {  	[tilespmem:s21+$0xFFFFFF80] =	vst v0;
	v0 =	vmul.f32 $1.131370830e+01, v5;
	v5 =	vld [tilespmem:s21+$0x0]  }
0x80: {  	[tilespmem:s21+$0xFFFFFF90] =	vst v1;
	v1 =	vmul.f32 $1.131370830e+01, v6;
	v6 =	vld [tilespmem:s21+$0x10]  }
0x81: {  	[tilespmem:s21+$0xFFFFFFA0] =	vst v0;
	v0 =	vmul.f32 $1.131370830e+01, v2;
	v2 =	vld [tilespmem:s21+$0x20]  }
0x82: {  	[tilespmem:s21+$0xFFFFFFB0] =	vst v1;
	v1 =	vmul.f32 $1.131370830e+01, v3;
	v3 =	vld [tilespmem:s21+$0x30]  }
0x83: {  	[tilespmem:s21+$0xFFFFFFC0] =	vst v0;
	v0 =	vmul.f32 $1.131370830e+01, v4;
	v4 =	vld [tilespmem:s21+$0x40]  }
0x84: {  	[tilespmem:s21+$0xFFFFFFD0] =	vst v1;
	v1 =	vmul.f32 $1.131370830e+01, v5;
	v5 =	vld [tilespmem:s21+$0x50]  }
0x85: {  	[tilespmem:s21+$0xFFFFFFE0] =	vst v0;
	v0 =	vmul.f32 $1.131370830e+01, v6;
	v6 =	vld [tilespmem:s21+$0x60]  }
0x86: {  	[tilespmem:s21+$0x0] =	vst v1;
	v1 =	vmul.f32 $1.131370830e+01, v2;
	v2 =	vld [tilespmem:s21+$0x70]  }
0x87: {  	[tilespmem:s21+$0x10] =	vst v0;
	v0 =	vmul.f32 $1.131370830e+01, v3;
	v3 =	vld [tilespmem:s21+$0x80]  }
0x88: {  	[tilespmem:s21+$0x20] =	vst v1;
	v1 =	vmul.f32 $1.131370830e+01, v4;
	v4 =	vld [tilespmem:s21+$0x90]  }
0x89: {  	[tilespmem:s21+$0x30] =	vst v0;
	v0 =	vmul.f32 $1.131370830e+01, v5;
	v5 =	vld [tilespmem:s21+$0xA0]  }
0x8a: {  	[tilespmem:s21+$0x40] =	vst v1;
	v1 =	vmul.f32 $1.131370830e+01, v6;
	v6 =	vld [tilespmem:s21+$0xB0]  }
0x8b: {  	[tilespmem:s21+$0x50] =	vst v0;
	v2 =	vmul.f32 $1.131370830e+01, v2;
	v0 =	vld [tilespmem:s21+$0xC0]  }
0x8c: {  	[tilespmem:s21+$0x60] =	vst v1;
	v3 =	vmul.f32 $1.131370830e+01, v3;
	v1 =	vld [tilespmem:s21+$0xD0]  }
0x8d: {  	[tilespmem:s21+$0x70] =	vst v2;
	v7 =	vmul.f32 $1.131370830e+01, v4;
	v2 =	vld [tilespmem:s21+$0xE0]  }
0x8e: {  	[tilespmem:s21+$0x80] =	vst v3;
	v3 =	vld [tilespmem:s21+$0xF0];
	v5 =	vmul.f32 $1.131370830e+01, v5  }
0x8f: {  	s22 =	simm.s32 $0x0;
	s23 =	simm.s32 $0xE700;
	v4 =	vld [tilespmem:s21+$0xFFFFFFF0];
	[tilespmem:s21+$0x90] =	vst v7;
	v6 =	vmul.f32 $1.131370830e+01, v6  }
.LBB2_5:
0x90: {  	v7 =	vld [tilespmem:s23+$0xFFFFFF00];
	[tilespmem:s21+$0xA0] =	vst v5;
	v0 =	vmul.f32 $1.131370830e+01, v0  }
0x91: {  	v5 =	vld [tilespmem:s23+$0xFFFFFF10];
	[tilespmem:s21+$0xB0] =	vst v6;
	v1 =	vmul.f32 $1.131370830e+01, v1  }
0x92: {  	v6 =	vld [tilespmem:s23+$0xFFFFFF20];
	[tilespmem:s21+$0xC0] =	vst v0;
	v0 =	vmul.f32 $1.131370830e+01, v2  }
0x93: {  	v2 =	vld [tilespmem:s23+$0xFFFFFF30];
	[tilespmem:s21+$0xD0] =	vst v1;
	v1 =	vmul.f32 $1.131370830e+01, v3  }
0x94: {  	v3 =	vld [tilespmem:s23+$0xFFFFFF40];
	v4 =	vmul.f32 $1.131370830e+01, v4;
	[tilespmem:s21+$0xE0] =	vst v0  }
0x95: {  	v0 =	vmul.f32 $1.131370830e+01, v7;
	v7 =	vld [tilespmem:s23+$0xFFFFFF50];
	[tilespmem:s21+$0xF0] =	vst v1  }
0x96: {  	v1 =	vmul.f32 $1.131370830e+01, v5;
	v5 =	vld [tilespmem:s23+$0xFFFFFF60];
	[tilespmem:s21+$0xFFFFFFF0] =	vst v4;
	s21 =	smov.u32 s23  }
0x97: {  	[tilespmem:s23+$0xFFFFFF00] =	vst v0;
	v0 =	vmul.f32 $1.131370830e+01, v6;
	v4 =	vld [tilespmem:s23+$0xFFFFFF70]  }
0x98: {  	[tilespmem:s23+$0xFFFFFF10] =	vst v1;
	v1 =	vmul.f32 $1.131370830e+01, v2;
	v2 =	vld [tilespmem:s23+$0xFFFFFF80]  }
0x99: {  	[tilespmem:s23+$0xFFFFFF20] =	vst v0;
	v0 =	vmul.f32 $1.131370830e+01, v3;
	v3 =	vld [tilespmem:s23+$0xFFFFFF90]  }
0x9a: {  	[tilespmem:s23+$0xFFFFFF30] =	vst v1;
	v1 =	vmul.f32 $1.131370830e+01, v7;
	v6 =	vld [tilespmem:s23+$0xFFFFFFA0]  }
0x9b: {  	[tilespmem:s23+$0xFFFFFF40] =	vst v0;
	v0 =	vmul.f32 $1.131370830e+01, v5;
	v5 =	vld [tilespmem:s23+$0xFFFFFFB0]  }
0x9c: {  	[tilespmem:s23+$0xFFFFFF50] =	vst v1;
	v1 =	vmul.f32 $1.131370830e+01, v4;
	v4 =	vld [tilespmem:s23+$0xFFFFFFC0]  }
0x9d: {  	[tilespmem:s23+$0xFFFFFF60] =	vst v0;
	v0 =	vmul.f32 $1.131370830e+01, v2;
	v2 =	vld [tilespmem:s23+$0xFFFFFFD0]  }
0x9e: {  	[tilespmem:s23+$0xFFFFFF70] =	vst v1;
	v1 =	vmul.f32 $1.131370830e+01, v3;
	v3 =	vld [tilespmem:s23+$0xFFFFFFE0]  }
0x9f: {  	[tilespmem:s23+$0xFFFFFF80] =	vst v0;
	v0 =	vmul.f32 $1.131370830e+01, v6;
	v6 =	vld [tilespmem:s23+$0x0]  }
0xa0: {  	[tilespmem:s23+$0xFFFFFF90] =	vst v1;
	v1 =	vmul.f32 $1.131370830e+01, v5;
	v5 =	vld [tilespmem:s23+$0x10]  }
0xa1: {  	[tilespmem:s23+$0xFFFFFFA0] =	vst v0;
	v0 =	vmul.f32 $1.131370830e+01, v4;
	v4 =	vld [tilespmem:s23+$0x20]  }
0xa2: {  	[tilespmem:s23+$0xFFFFFFB0] =	vst v1;
	v1 =	vmul.f32 $1.131370830e+01, v2;
	v2 =	vld [tilespmem:s23+$0x30]  }
0xa3: {  	[tilespmem:s23+$0xFFFFFFC0] =	vst v0;
	v0 =	vmul.f32 $1.131370830e+01, v3;
	v3 =	vld [tilespmem:s23+$0x40]  }
0xa4: {  	[tilespmem:s23+$0xFFFFFFD0] =	vst v1;
	v1 =	vmul.f32 $1.131370830e+01, v6;
	v6 =	vld [tilespmem:s23+$0x50]  }
0xa5: {  	[tilespmem:s23+$0xFFFFFFE0] =	vst v0;
	v0 =	vmul.f32 $1.131370830e+01, v5;
	v5 =	vld [tilespmem:s23+$0x60]  }
0xa6: {  	[tilespmem:s23+$0x0] =	vst v1;
	v1 =	vmul.f32 $1.131370830e+01, v4;
	v4 =	vld [tilespmem:s23+$0x70]  }
0xa7: {  	[tilespmem:s23+$0x10] =	vst v0;
	v0 =	vmul.f32 $1.131370830e+01, v2;
	v2 =	vld [tilespmem:s23+$0x80]  }
0xa8: {  	[tilespmem:s23+$0x20] =	vst v1;
	v1 =	vmul.f32 $1.131370830e+01, v3;
	v3 =	vld [tilespmem:s23+$0x90]  }
0xa9: {  	s22 =	sadd.s32 $0x4, s22;
	[tilespmem:s23+$0x30] =	vst v0;
	v0 =	vmul.f32 $1.131370830e+01, v6;
	v6 =	vld [tilespmem:s23+$0xA0]  }
0xaa: {  	p0 =	slt.u32 s22, $0xFC;
	[tilespmem:s23+$0x40] =	vst v1;
	v1 =	vmul.f32 $1.131370830e+01, v5;
	v7 =	vld [tilespmem:s23+$0xB0]  }
.Ltmp1:
0xab: {  	[tilespmem:s23+$0x50] =	vst v0;
	v4 =	vmul.f32 $1.131370830e+01, v4;
	v0 =	vld [tilespmem:s23+$0xC0];
	(pc) =	sbr.rel @p0 .LBB2_5-.Ltmp1, $4  }
0xac: {  	[tilespmem:s23+$0x60] =	vst v1;
	v5 =	vmul.f32 $1.131370830e+01, v2;
	v1 =	vld [tilespmem:s23+$0xD0]  }
0xad: {  	[tilespmem:s23+$0x70] =	vst v4;
	v8 =	vmul.f32 $1.131370830e+01, v3;
	v2 =	vld [tilespmem:s23+$0xE0]  }
0xae: {  	[tilespmem:s23+$0x80] =	vst v5;
	v5 =	vmul.f32 $1.131370830e+01, v6;
	v3 =	vld [tilespmem:s23+$0xF0]  }
0xaf: {  	s23 =	sadd.s32 $0x200, s23;
	v4 =	vld [tilespmem:s21+$0xFFFFFFF0];
	[tilespmem:s21+$0x90] =	vst v8;
	v6 =	vmul.f32 $1.131370830e+01, v7  }
0xb0: {  	[tilespmem:s21+$0xA0] =	vst v5;
	v0 =	vmul.f32 $1.131370830e+01, v0  }
0xb1: {  	s19 =	sadd.s32 $0x1, s19;
	[tilespmem:s21+$0xB0] =	vst v6;
	v1 =	vmul.f32 $1.131370830e+01, v1  }
0xb2: {  	p0 =	sne.s32 s19, $0x32;
	[tilespmem:s21+$0xC0] =	vst v0;
	v61 =	vmul.f32 $1.131370830e+01, v2  }
.Ltmp2:
0xb3: {  	s20 =	sshll.u32 s20, $0xF;
	[tilespmem:s21+$0xD0] =	vst v1;
	v62 =	vmul.f32 $1.131370830e+01, v3;
	(pc) =	sbr.rel @p0 .LBB2_2-.Ltmp2, $4  }
0xb4: {  	s20 =	sadd.s32 s6, s20;
	v63 =	vmul.f32 $1.131370830e+01, v4;
	[tilespmem:s21+$0xE0] =	vst v61  }
0xb5: {  	s20 =	sshrl.u32 s20, $0x3;
	[tilespmem:s21+$0xF0] =	vst v62  }
0xb6: {  	s20 =	sadd.s32 s3, s20;
	[tilespmem:s21+$0xFFFFFFF0] =	vst v63  }
0xb7: {  	[hbm4b:s20+s4] =	stream.linear.scatter [tilespmem:s12], [sflag:$0x4], $0x8000, $0x38;
	[tilespmem:$0x16400] =	vst v63  }
0xb8: {  	s18 =	sadd.s32 $0x1, s18  }
0xb9: {  	_ =	swait.ge [sflag:s16], $0x8000;
	p0 =	sne.s32 s18, s7  }
.Ltmp3:
0xba: {  	[sflag:s16] =	ssyncset.done $0x0;
	(pc) =	sbr.rel @p0 .LBB2_1-.Ltmp3, $4  }
0xbb: {  	[sflag:s16] =	ssyncadd.s32 $0xFFFF8000  }
0xbc: {  	_ =	swait.ge [sflag:s17], $0x8000  }
0xbd: {  	[sflag:s17] =	ssyncset.done $0x0  }
0xbe: {  	[sflag:s17] =	ssyncadd.s32 $0xFFFF8000  }
0xbf: {  	_ =	sfence.sel $0x180000  }
0xc0: {  	[bflag:$0x0] =	sbarrier.arrive $0xFFFF  }
0xc1: {  	p0 =	sne.s32 s0, $0x0;
	_ =	strace $0x90000047  }
0xc2: {  	s0 =	sadd.s32 @!p0 $0x100000, s2;
	[bflag:$0x2] =	sbarrier.arrive $0xFFFF  }
0xc3: {  	[sflag:s0] =	ssyncadd.tile.s32 @!p0 $0x1;
	_ =	shalt  }
.Lfunc_end2:
_tile_overlayer_lowered:
.L_overlay_start_2:
0xc4: {  	(tag) =	ssettag $0x2  }
0xc5: {  	s0 =	rddreg [dreg:$0x0];
	s2 =	stileid.u32  }
0xc6: {  	s1 =	rddreg [dreg:$0x1];
	p0 =	sne.s32 s2, $0x0  }
0xc7: {  	s3 =	rddreg [dreg:$0x2];
	[bflag:$0x3] =	sbarrier.arrive $0xFFFF;
	s2 =	simm.s32 @!p0 $0x1C05  }
0xc8: {  	[timem:s3], [sflag:s2] =	dma.local @!p0 [hbm:s0], s1  }
0xc9: {  	s0 =	simm.s32 @!p0 $0x5  }
0xca: {  	_ =	swait.ge @!p0 [sflag:s0], s1  }
0xcb: {  	s1 =	ssub.s32 @!p0 $0x0, s1;
	[sflag:s0] =	ssyncset.done @!p0 $0x0  }
0xcc: {  	[sflag:s0] =	ssyncadd.s32 @!p0 s1  }
0xcd: {  	[bflag:$0x3] =	sbarrier.arrive $0xFFFF  }
0xce: {  	_ =	shalt  }

</sc_bundles>
